<compile_context>
chip_gen: v7x
topology: tpu7x:2x2x1
jax: 0.10.2.dev20260603
libtpu: 0.0.44.dev20260713+nightly
codegen_flags: <defaults>
</compile_context>

<pallas_src>
import functools

import jax
import jax.numpy as jnp
from jax import lax
from jax.experimental import pallas as pl
from jax.experimental.pallas import tpu as pltpu
from jax.experimental.pallas import tpu_sc as plsc

_N = 10000
_DEG = 32
_E = _N * _DEG
_H = 128
_HID = 64
_K = 4

_CW = 128
_NW = 32
_BN = 200
_P = 2


def _precompute_body(h_ref, w1t_ref, b1_ref, a2_ref, b_ref):
    ab = jnp.dot(h_ref[...].astype(jnp.bfloat16), w1t_ref[...].astype(jnp.bfloat16),
                 preferred_element_type=jnp.float32)
    aa = ab[:, :_HID] + b1_ref[...]
    a2_ref[...] = jnp.concatenate([aa, aa], axis=1)
    b_ref[...] = ab[:, _HID:]


def _precompute(h, w1t, b1):
    return pl.pallas_call(
        _precompute_body,
        out_shape=[
            jax.ShapeDtypeStruct((_N, 2 * _HID), jnp.float32),
            jax.ShapeDtypeStruct((_N, _HID), jnp.float32),
        ],
    )(h, w1t, b1)


def _gather_body(nchunk, ncw_max, b_hbm, idx_hbm, out_hbm, idx_v, rows0, rows1, sem0, sem1):
    wid = lax.axis_index("s") * 2 + lax.axis_index("c")
    base = wid * ncw_max
    ncw = jnp.minimum(ncw_max, nchunk - base)
    pltpu.sync_copy(idx_hbm.at[pl.ds(base, ncw_max)], idx_v)
    pltpu.make_async_copy(b_hbm.at[idx_v.at[0]], rows0, sem0).start()

    def pair(jj, carry):
        c0 = 2 * jj
        c1 = c0 + 1

        @pl.when(c0 < ncw)
        def _():
            @pl.when(c1 < ncw)
            def _():
                pltpu.make_async_copy(b_hbm.at[idx_v.at[c1]], rows1, sem1).start()

            pltpu.make_async_copy(b_hbm.at[idx_v.at[c0]], rows0, sem0).wait()
            pltpu.sync_copy(rows0, out_hbm.at[base + c0])

        @pl.when(c1 < ncw)
        def _():
            @pl.when(c1 + 1 < ncw)
            def _():
                pltpu.make_async_copy(b_hbm.at[idx_v.at[c1 + 1]], rows0, sem0).start()

            pltpu.make_async_copy(b_hbm.at[idx_v.at[c1]], rows1, sem1).wait()
            pltpu.sync_copy(rows1, out_hbm.at[base + c1])

        return carry

    lax.fori_loop(0, (ncw_max + 1) // 2, pair, 0)


def _gather(b, idx2d, nchunk):
    ncw_max = -(-nchunk // _NW)
    fn = pl.kernel(
        functools.partial(_gather_body, nchunk, ncw_max),
        out_type=jax.ShapeDtypeStruct((nchunk, _CW, _HID), jnp.float32),
        mesh=plsc.VectorSubcoreMesh(core_axis_name="c", subcore_axis_name="s"),
        compiler_params=pltpu.CompilerParams(use_tc_tiling_on_sc=False),
        scratch_types=[
            pltpu.VMEM((ncw_max, _CW), jnp.int32),
            pltpu.VMEM((_CW, _HID), jnp.float32),
            pltpu.VMEM((_CW, _HID), jnp.float32),
            pltpu.SemaphoreType.DMA,
            pltpu.SemaphoreType.DMA,
        ],
    )
    return fn(b, idx2d)


def _score_body(a2_ref, bg_ref, dst_ref, w2blk_ref, b2_ref, edst_ref, ew_ref):
    a2 = a2_ref[...]
    lo = jnp.zeros((_BN, _DEG), jnp.float32)
    for t in range(_DEG // 2):
        xt = bg_ref[:, t, :]
        ht = jnp.maximum(a2 + xt, 0.0).astype(jnp.bfloat16)
        wt = w2blk_ref[t * 2 * _HID:(t + 1) * 2 * _HID, :].astype(jnp.bfloat16)
        lo = lo + jnp.dot(ht, wt, preferred_element_type=jnp.float32)
    s = jax.nn.sigmoid(lo + b2_ref[0])
    iota = lax.broadcasted_iota(jnp.int32, (_BN, _DEG), 1)
    dsts = dst_ref[...]
    d_cols = []
    w_cols = []
    neg_inf = jnp.float32(-jnp.inf)
    for _ in range(_K):
        m = jnp.max(s, axis=1, keepdims=True)
        pos = jnp.min(jnp.where(s == m, iota, _DEG), axis=1, keepdims=True)
        sel = iota == pos
        d_cols.append(jnp.sum(jnp.where(sel, dsts, 0), axis=1, keepdims=True))
        w_cols.append(m)
        s = jnp.where(sel, neg_inf, s)
    edst_ref[...] = jnp.concatenate(d_cols, axis=1)
    ew_ref[...] = jnp.concatenate(w_cols, axis=1)


def _score(a2, bg2, dst2d, w2blk, b2, n_nodes):
    grid = (n_nodes // _BN,)
    return pl.pallas_call(
        _score_body,
        grid=grid,
        in_specs=[
            pl.BlockSpec((_BN, 2 * _HID), lambda i: (i, 0)),
            pl.BlockSpec((_BN, _DEG // 2, 2 * _HID), lambda i: (i, 0, 0)),
            pl.BlockSpec((_BN, _DEG), lambda i: (i, 0)),
            pl.BlockSpec((_DEG * _HID, _DEG), lambda i: (0, 0)),
            pl.BlockSpec(memory_space=pltpu.SMEM),
        ],
        out_specs=[
            pl.BlockSpec((_BN, _K), lambda i: (i, 0)),
            pl.BlockSpec((_BN, _K), lambda i: (i, 0)),
        ],
        out_shape=[
            jax.ShapeDtypeStruct((n_nodes, _K), jnp.int32),
            jax.ShapeDtypeStruct((n_nodes, _K), jnp.float32),
        ],
    )(a2, bg2, dst2d, w2blk, b2)


def kernel(h, src, dst, W1, b1, W2, b2):
    w1t = jnp.concatenate([W1[:, :_H].T, W1[:, _H:].T], axis=1)
    a2, b = _precompute(h, w1t, b1.reshape(1, _HID))
    w2blk = jnp.kron(jnp.eye(_DEG, dtype=jnp.float32), W2.T)
    dst2d = dst.reshape(_N, _DEG)
    np_ = _N // _P
    nch = np_ * _DEG // _CW
    ncw_max = -(-nch // _NW)
    idx3 = dst.reshape(_P, nch, _CW)
    pad = jnp.zeros((_NW * ncw_max - nch, _CW), jnp.int32)
    bgs = [_gather(b, jnp.concatenate([idx3[p], pad], axis=0), nch)
           for p in range(_P)]
    edst_l, ew_l = [], []
    for p in range(_P):
        bg2 = bgs[p].reshape(np_, _DEG // 2, 2 * _HID)
        e_p, w_p = _score(
            lax.slice_in_dim(a2, p * np_, (p + 1) * np_, axis=0), bg2,
            lax.slice_in_dim(dst2d, p * np_, (p + 1) * np_, axis=0),
            w2blk, b2, np_)
        edst_l.append(e_p)
        ew_l.append(w_p)
    edst = jnp.concatenate(edst_l, axis=0)
    ew = jnp.concatenate(ew_l, axis=0)
    esrc = jnp.repeat(jnp.arange(_N, dtype=jnp.int32), _K)
    edge_index = jnp.stack([esrc, edst.reshape(-1)], axis=0)
    return edge_index, ew.reshape(-1)

# --- scband reference (transcript-rebuilt; emitter-appended) ---
"""Pipeline reference for scband-edge-scorer-2482491097615 (READ-ONLY COPY).

The authoritative reference and input builder live on the scoring server;
editing this copy changes nothing except your own understanding.
"""

import jax, jax.numpy as jnp
import numpy as np

N = 10000        # n_nodes
DEG = 32         # candidate edges per source node
E = N * DEG      # 320000 candidate edges
H_DIM = 128
K = 4            # keep at most K neighbours per source node


def setup_inputs(seed: int = 0) -> dict:
    key = jax.random.key(seed)
    k1, k2, k3, k4, k5, k6 = jax.random.split(key, 6)
    h = jax.random.normal(k1, (N, H_DIM), dtype=jnp.float32)
    # edge candidates: src is grouped/contiguous (sorted), exactly DEG candidates per node
    src = jnp.repeat(jnp.arange(N, dtype=jnp.int32), DEG)
    dst = jax.random.randint(k2, (E,), 0, N, dtype=jnp.int32)
    # MLP params (torch nn.Linear layout: y = x @ W.T + b)
    W1 = jax.random.normal(k3, (64, 2 * H_DIM), dtype=jnp.float32) / jnp.sqrt(2.0 * H_DIM)
    b1 = jax.random.normal(k4, (64,), dtype=jnp.float32) * 0.01
    W2 = jax.random.normal(k5, (1, 64), dtype=jnp.float32) / 8.0
    b2 = jax.random.normal(k6, (1,), dtype=jnp.float32) * 0.01
    return {"h": h, "src": src, "dst": dst, "W1": W1, "b1": b1, "W2": W2, "b2": b2}


def scatter_topk(score, k, index, n_nodes, deg):
    # per-src-node top-k over candidate edge scores.
    # src is contiguous with exactly `deg` candidates per node, so groups are
    # contiguous blocks of length deg -> reshape + lax.top_k gives exact semantics.
    s = score.reshape(n_nodes, deg)
    _, idx = jax.lax.top_k(s, k)                      # (n_nodes, k) within-group positions
    base = jnp.arange(n_nodes, dtype=jnp.int32)[:, None] * deg
    keep = (base + idx).reshape(-1)                   # global edge indices, shape (n_nodes*k,)
    return keep


def reference(h, src, dst, W1, b1, W2, b2):
    # feat = cat([h[src], h[dst]], dim=1)  -- large gather, memory bound
    feat = jnp.concatenate([jnp.take(h, src, axis=0), jnp.take(h, dst, axis=0)], axis=1)
    hidden = jax.nn.relu(feat @ W1.T + b1)
    score = jax.nn.sigmoid((hidden @ W2.T + b2).reshape(-1))   # (E,)
    keep = scatter_topk(score, K, src, N, DEG)                 # (N*K,)
    edge_index = jnp.stack([jnp.take(src, keep), jnp.take(dst, keep)], axis=0)
    edge_w = jnp.take(score, keep)
    return edge_index, edge_w

if __name__ == "__main__":
    import jax
    _d = setup_inputs()
    print(jax.jit(kernel)(*tuple(_d.values())))

</pallas_src>

<mosaic_0001>
#map = affine_map<(d0, d1) -> (0, 0)>
#map1 = affine_map<(d0, d1) -> (0, 0, 0)>
module attributes {stable_mosaic.version = 14 : i64} {
  func.func @_gather_body(%arg0: i32, %arg1: i32, %arg2: memref<10000x64xf32, #tpu.memory_space<hbm>>, %arg3: memref<1280x128xi32, #tpu.memory_space<hbm>>, %arg4: memref<1250x128x64xf32, #tpu.memory_space<hbm>>, %arg5: memref<40x128xi32, #tpu.memory_space<vmem>>, %arg6: memref<128x64xf32, #tpu.memory_space<vmem>>, %arg7: memref<128x64xf32, #tpu.memory_space<vmem>>, %arg8: memref<!tpu.dma_semaphore, #tpu.memory_space<semaphore_mem>>, %arg9: memref<!tpu.dma_semaphore, #tpu.memory_space<semaphore_mem>>) attributes {dimension_semantics = [#tpu.dimension_semantics<core_parallel>, #tpu.dimension_semantics<subcore_parallel>], iteration_bounds = array<i64: 2, 16>, scalar_prefetch = 0 : i64, scratch_operands = 5 : i64, tpu.core_type = #tpu.core_type<sc_vector_subcore>, window_params = [{transform_indices = #map}, {transform_indices = #map}, {transform_indices = #map1}]} {
    %mul3A = arith.constant 2 : i32
    %mul3A_0 = arith.muli %arg1, %mul3A : i32
    %add3A = arith.addi %mul3A_0, %arg0 : i32
    %mul3A_1 = arith.constant 40 : i32
    %mul3A_2 = arith.muli %add3A, %mul3A_1 : i32
    %sub3A = arith.constant 1250 : i32
    %sub3A_3 = arith.subi %sub3A, %mul3A_2 : i32
    %min3A = arith.constant 40 : i32
    %min3A_4 = arith.minsi %min3A, %sub3A_3 : i32
    "tpu.region"() ({
      %run_scoped3A = tpu.sem_alloc : memref<!tpu.dma_semaphore, #tpu.memory_space<semaphore_mem>>
      %dma_start3A_16 = arith.constant 0 : i32
      %dma_start3A_17 = tpu.memref_slice %arg3[%mul3A_2, %dma_start3A_16] : memref<1280x128xi32, #tpu.memory_space<hbm>> -> memref<40x128xi32, #tpu.memory_space<hbm>>
      %dma_start3A_18 = arith.constant 0 : i32
      %dma_start3A_19 = tpu.memref_slice %arg3[%mul3A_2, %dma_start3A_18] : memref<1280x128xi32, #tpu.memory_space<hbm>> -> memref<40x128xi32, #tpu.memory_space<hbm>>
      tpu.enqueue_dma source(%dma_start3A_19 : memref<40x128xi32, #tpu.memory_space<hbm>>) target(%arg5 : memref<40x128xi32, #tpu.memory_space<vmem>>) target_semaphore(%run_scoped3A : memref<!tpu.dma_semaphore, #tpu.memory_space<semaphore_mem>>)
      %dma_wait3A = arith.constant 0 : i32
      %dma_wait3A_20 = tpu.memref_slice %arg3[%mul3A_2, %dma_wait3A] : memref<1280x128xi32, #tpu.memory_space<hbm>> -> memref<40x128xi32, #tpu.memory_space<hbm>>
      %dma_wait3A_21 = arith.constant 0 : i32
      %dma_wait3A_22 = tpu.memref_slice %arg3[%mul3A_2, %dma_wait3A_21] : memref<1280x128xi32, #tpu.memory_space<hbm>> -> memref<40x128xi32, #tpu.memory_space<hbm>>
      tpu.wait_dma2 semaphore(%run_scoped3A : memref<!tpu.dma_semaphore, #tpu.memory_space<semaphore_mem>>) src(%dma_wait3A_22 : memref<40x128xi32, #tpu.memory_space<hbm>>) dst(%arg5 : memref<40x128xi32, #tpu.memory_space<vmem>>)
      tpu.yield
    }) : () -> ()
    %dma_start3A = arith.constant 0 : i32
    %dma_start3A_5 = arith.constant 0 : i32
    %dma_start3A_6 = tpu.memref_slice %arg5[%dma_start3A, %dma_start3A_5] : memref<40x128xi32, #tpu.memory_space<vmem>> -> memref<1x128xi32, #tpu.memory_space<vmem>>
    %dma_start3A_7 = tpu.memref_squeeze %dma_start3A_6 : memref<1x128xi32, #tpu.memory_space<vmem>> -> memref<128xi32, #tpu.memory_space<vmem>>
    %dma_start3A_8 = arith.constant 0 : i32
    %dma_start3A_9 = arith.constant 0 : i32
    %dma_start3A_10 = tpu.memref_slice %arg2[%dma_start3A_8, %dma_start3A_9] : memref<10000x64xf32, #tpu.memory_space<hbm>> -> memref<10000x64xf32, #tpu.memory_space<hbm>>
    tpu.enqueue_indirect_dma source(%dma_start3A_10 : memref<10000x64xf32, #tpu.memory_space<hbm>>) target(%arg6 : memref<128x64xf32, #tpu.memory_space<vmem>>) offsets(%dma_start3A_7 : memref<128xi32, #tpu.memory_space<vmem>>) semaphore(%arg8 : memref<!tpu.dma_semaphore, #tpu.memory_space<semaphore_mem>>)
    %scan3A = arith.constant 0 : i32
    %scan3A_11 = arith.constant 0 : i32
    %scan3A_12 = arith.constant 20 : i32
    %scan3A_13 = arith.addi %scan3A_11, %scan3A_12 : i32
    %scan3A_14 = arith.constant 1 : i32
    scf.for %scan3A_16 = %scan3A_11 to %scan3A_13 step %scan3A_14  : i32 {
      %mul3A_17 = arith.constant 2 : i32
      %mul3A_18 = arith.muli %mul3A_17, %scan3A_16 : i32
      %add3A_19 = arith.constant 1 : i32
      %add3A_20 = arith.addi %mul3A_18, %add3A_19 : i32
      %lt3A = arith.cmpi slt, %mul3A_18, %min3A_4 : i32
      %convert_element_type3A = arith.extui %lt3A : i1 to i32
      %cond3A = arith.constant 0 : i32
      %cond3A_21 = arith.cmpi ne, %convert_element_type3A, %cond3A : i32
      scf.if %cond3A_21 {
        %lt3A_26 = arith.cmpi slt, %add3A_20, %min3A_4 : i32
        %convert_element_type3A_27 = arith.extui %lt3A_26 : i1 to i32
        %cond3A_28 = arith.constant 0 : i32
        %cond3A_29 = arith.cmpi ne, %convert_element_type3A_27, %cond3A_28 : i32
        scf.if %cond3A_29 {
          %dma_start3A_36 = arith.constant 0 : i32
          %dma_start3A_37 = tpu.memref_slice %arg5[%add3A_20, %dma_start3A_36] : memref<40x128xi32, #tpu.memory_space<vmem>> -> memref<1x128xi32, #tpu.memory_space<vmem>>
          %dma_start3A_38 = tpu.memref_squeeze %dma_start3A_37 : memref<1x128xi32, #tpu.memory_space<vmem>> -> memref<128xi32, #tpu.memory_space<vmem>>
          %dma_start3A_39 = arith.constant 0 : i32
          %dma_start3A_40 = arith.constant 0 : i32
          %dma_start3A_41 = tpu.memref_slice %arg2[%dma_start3A_39, %dma_start3A_40] : memref<10000x64xf32, #tpu.memory_space<hbm>> -> memref<10000x64xf32, #tpu.memory_space<hbm>>
          tpu.enqueue_indirect_dma source(%dma_start3A_41 : memref<10000x64xf32, #tpu.memory_space<hbm>>) target(%arg7 : memref<128x64xf32, #tpu.memory_space<vmem>>) offsets(%dma_start3A_38 : memref<128xi32, #tpu.memory_space<vmem>>) semaphore(%arg9 : memref<!tpu.dma_semaphore, #tpu.memory_space<semaphore_mem>>)
        } else {
        }
        %dma_wait3A = arith.constant 0 : i32
        %dma_wait3A_30 = tpu.memref_slice %arg5[%mul3A_18, %dma_wait3A] : memref<40x128xi32, #tpu.memory_space<vmem>> -> memref<1x128xi32, #tpu.memory_space<vmem>>
        %dma_wait3A_31 = tpu.memref_squeeze %dma_wait3A_30 : memref<1x128xi32, #tpu.memory_space<vmem>> -> memref<128xi32, #tpu.memory_space<vmem>>
        %dma_wait3A_32 = arith.constant 0 : i32
        %dma_wait3A_33 = arith.constant 0 : i32
        %dma_wait3A_34 = tpu.memref_slice %arg2[%dma_wait3A_32, %dma_wait3A_33] : memref<10000x64xf32, #tpu.memory_space<hbm>> -> memref<10000x64xf32, #tpu.memory_space<hbm>>
        tpu.wait_indirect_dma semaphore(%arg8 : memref<!tpu.dma_semaphore, #tpu.memory_space<semaphore_mem>>) src(%dma_wait3A_34 : memref<10000x64xf32, #tpu.memory_space<hbm>>) dst(%arg6 : memref<128x64xf32, #tpu.memory_space<vmem>>)
        %add3A_35 = arith.addi %mul3A_2, %mul3A_18 : i32
        "tpu.region"() ({
          %run_scoped3A = tpu.sem_alloc : memref<!tpu.dma_semaphore, #tpu.memory_space<semaphore_mem>>
          %dma_start3A_36 = arith.constant 0 : i32
          %dma_start3A_37 = arith.constant 0 : i32
          %dma_start3A_38 = tpu.memref_slice %arg4[%add3A_35, %dma_start3A_36, %dma_start3A_37] : memref<1250x128x64xf32, #tpu.memory_space<hbm>> -> memref<1x128x64xf32, #tpu.memory_space<hbm>>
          %dma_start3A_39 = tpu.memref_squeeze %dma_start3A_38 : memref<1x128x64xf32, #tpu.memory_space<hbm>> -> memref<128x64xf32, #tpu.memory_space<hbm>>
          %dma_start3A_40 = arith.constant 0 : i32
          %dma_start3A_41 = arith.constant 0 : i32
          %dma_start3A_42 = tpu.memref_slice %arg4[%add3A_35, %dma_start3A_40, %dma_start3A_41] : memref<1250x128x64xf32, #tpu.memory_space<hbm>> -> memref<1x128x64xf32, #tpu.memory_space<hbm>>
          %dma_start3A_43 = tpu.memref_squeeze %dma_start3A_42 : memref<1x128x64xf32, #tpu.memory_space<hbm>> -> memref<128x64xf32, #tpu.memory_space<hbm>>
          tpu.enqueue_dma source(%arg6 : memref<128x64xf32, #tpu.memory_space<vmem>>) target(%dma_start3A_43 : memref<128x64xf32, #tpu.memory_space<hbm>>) target_semaphore(%run_scoped3A : memref<!tpu.dma_semaphore, #tpu.memory_space<semaphore_mem>>)
          %dma_wait3A_44 = arith.constant 0 : i32
          %dma_wait3A_45 = arith.constant 0 : i32
          %dma_wait3A_46 = tpu.memref_slice %arg4[%add3A_35, %dma_wait3A_44, %dma_wait3A_45] : memref<1250x128x64xf32, #tpu.memory_space<hbm>> -> memref<1x128x64xf32, #tpu.memory_space<hbm>>
          %dma_wait3A_47 = tpu.memref_squeeze %dma_wait3A_46 : memref<1x128x64xf32, #tpu.memory_space<hbm>> -> memref<128x64xf32, #tpu.memory_space<hbm>>
          %dma_wait3A_48 = arith.constant 0 : i32
          %dma_wait3A_49 = arith.constant 0 : i32
          %dma_wait3A_50 = tpu.memref_slice %arg4[%add3A_35, %dma_wait3A_48, %dma_wait3A_49] : memref<1250x128x64xf32, #tpu.memory_space<hbm>> -> memref<1x128x64xf32, #tpu.memory_space<hbm>>
          %dma_wait3A_51 = tpu.memref_squeeze %dma_wait3A_50 : memref<1x128x64xf32, #tpu.memory_space<hbm>> -> memref<128x64xf32, #tpu.memory_space<hbm>>
          tpu.wait_dma2 semaphore(%run_scoped3A : memref<!tpu.dma_semaphore, #tpu.memory_space<semaphore_mem>>) src(%arg6 : memref<128x64xf32, #tpu.memory_space<vmem>>) dst(%dma_wait3A_51 : memref<128x64xf32, #tpu.memory_space<hbm>>)
          tpu.yield
        }) : () -> ()
      } else {
      }
      %lt3A_22 = arith.cmpi slt, %add3A_20, %min3A_4 : i32
      %convert_element_type3A_23 = arith.extui %lt3A_22 : i1 to i32
      %cond3A_24 = arith.constant 0 : i32
      %cond3A_25 = arith.cmpi ne, %convert_element_type3A_23, %cond3A_24 : i32
      scf.if %cond3A_25 {
        %add3A_26 = arith.constant 1 : i32
        %add3A_27 = arith.addi %add3A_20, %add3A_26 : i32
        %lt3A_28 = arith.cmpi slt, %add3A_27, %min3A_4 : i32
        %convert_element_type3A_29 = arith.extui %lt3A_28 : i1 to i32
        %cond3A_30 = arith.constant 0 : i32
        %cond3A_31 = arith.cmpi ne, %convert_element_type3A_29, %cond3A_30 : i32
        scf.if %cond3A_31 {
          %add3A_38 = arith.constant 1 : i32
          %add3A_39 = arith.addi %add3A_20, %add3A_38 : i32
          %dma_start3A_40 = arith.constant 0 : i32
          %dma_start3A_41 = tpu.memref_slice %arg5[%add3A_39, %dma_start3A_40] : memref<40x128xi32, #tpu.memory_space<vmem>> -> memref<1x128xi32, #tpu.memory_space<vmem>>
          %dma_start3A_42 = tpu.memref_squeeze %dma_start3A_41 : memref<1x128xi32, #tpu.memory_space<vmem>> -> memref<128xi32, #tpu.memory_space<vmem>>
          %dma_start3A_43 = arith.constant 0 : i32
          %dma_start3A_44 = arith.constant 0 : i32
          %dma_start3A_45 = tpu.memref_slice %arg2[%dma_start3A_43, %dma_start3A_44] : memref<10000x64xf32, #tpu.memory_space<hbm>> -> memref<10000x64xf32, #tpu.memory_space<hbm>>
          tpu.enqueue_indirect_dma source(%dma_start3A_45 : memref<10000x64xf32, #tpu.memory_space<hbm>>) target(%arg6 : memref<128x64xf32, #tpu.memory_space<vmem>>) offsets(%dma_start3A_42 : memref<128xi32, #tpu.memory_space<vmem>>) semaphore(%arg8 : memref<!tpu.dma_semaphore, #tpu.memory_space<semaphore_mem>>)
        } else {
        }
        %dma_wait3A = arith.constant 0 : i32
        %dma_wait3A_32 = tpu.memref_slice %arg5[%add3A_20, %dma_wait3A] : memref<40x128xi32, #tpu.memory_space<vmem>> -> memref<1x128xi32, #tpu.memory_space<vmem>>
        %dma_wait3A_33 = tpu.memref_squeeze %dma_wait3A_32 : memref<1x128xi32, #tpu.memory_space<vmem>> -> memref<128xi32, #tpu.memory_space<vmem>>
        %dma_wait3A_34 = arith.constant 0 : i32
        %dma_wait3A_35 = arith.constant 0 : i32
        %dma_wait3A_36 = tpu.memref_slice %arg2[%dma_wait3A_34, %dma_wait3A_35] : memref<10000x64xf32, #tpu.memory_space<hbm>> -> memref<10000x64xf32, #tpu.memory_space<hbm>>
        tpu.wait_indirect_dma semaphore(%arg9 : memref<!tpu.dma_semaphore, #tpu.memory_space<semaphore_mem>>) src(%dma_wait3A_36 : memref<10000x64xf32, #tpu.memory_space<hbm>>) dst(%arg7 : memref<128x64xf32, #tpu.memory_space<vmem>>)
        %add3A_37 = arith.addi %mul3A_2, %add3A_20 : i32
        "tpu.region"() ({
          %run_scoped3A = tpu.sem_alloc : memref<!tpu.dma_semaphore, #tpu.memory_space<semaphore_mem>>
          %dma_start3A_38 = arith.constant 0 : i32
          %dma_start3A_39 = arith.constant 0 : i32
          %dma_start3A_40 = tpu.memref_slice %arg4[%add3A_37, %dma_start3A_38, %dma_start3A_39] : memref<1250x128x64xf32, #tpu.memory_space<hbm>> -> memref<1x128x64xf32, #tpu.memory_space<hbm>>
          %dma_start3A_41 = tpu.memref_squeeze %dma_start3A_40 : memref<1x128x64xf32, #tpu.memory_space<hbm>> -> memref<128x64xf32, #tpu.memory_space<hbm>>
          %dma_start3A_42 = arith.constant 0 : i32
          %dma_start3A_43 = arith.constant 0 : i32
          %dma_start3A_44 = tpu.memref_slice %arg4[%add3A_37, %dma_start3A_42, %dma_start3A_43] : memref<1250x128x64xf32, #tpu.memory_space<hbm>> -> memref<1x128x64xf32, #tpu.memory_space<hbm>>
          %dma_start3A_45 = tpu.memref_squeeze %dma_start3A_44 : memref<1x128x64xf32, #tpu.memory_space<hbm>> -> memref<128x64xf32, #tpu.memory_space<hbm>>
          tpu.enqueue_dma source(%arg7 : memref<128x64xf32, #tpu.memory_space<vmem>>) target(%dma_start3A_45 : memref<128x64xf32, #tpu.memory_space<hbm>>) target_semaphore(%run_scoped3A : memref<!tpu.dma_semaphore, #tpu.memory_space<semaphore_mem>>)
          %dma_wait3A_46 = arith.constant 0 : i32
          %dma_wait3A_47 = arith.constant 0 : i32
          %dma_wait3A_48 = tpu.memref_slice %arg4[%add3A_37, %dma_wait3A_46, %dma_wait3A_47] : memref<1250x128x64xf32, #tpu.memory_space<hbm>> -> memref<1x128x64xf32, #tpu.memory_space<hbm>>
          %dma_wait3A_49 = tpu.memref_squeeze %dma_wait3A_48 : memref<1x128x64xf32, #tpu.memory_space<hbm>> -> memref<128x64xf32, #tpu.memory_space<hbm>>
          %dma_wait3A_50 = arith.constant 0 : i32
          %dma_wait3A_51 = arith.constant 0 : i32
          %dma_wait3A_52 = tpu.memref_slice %arg4[%add3A_37, %dma_wait3A_50, %dma_wait3A_51] : memref<1250x128x64xf32, #tpu.memory_space<hbm>> -> memref<1x128x64xf32, #tpu.memory_space<hbm>>
          %dma_wait3A_53 = tpu.memref_squeeze %dma_wait3A_52 : memref<1x128x64xf32, #tpu.memory_space<hbm>> -> memref<128x64xf32, #tpu.memory_space<hbm>>
          tpu.wait_dma2 semaphore(%run_scoped3A : memref<!tpu.dma_semaphore, #tpu.memory_space<semaphore_mem>>) src(%arg7 : memref<128x64xf32, #tpu.memory_space<vmem>>) dst(%dma_wait3A_53 : memref<128x64xf32, #tpu.memory_space<hbm>>)
          tpu.yield
        }) : () -> ()
      } else {
      }
    }
    %scan3A_15 = arith.constant 20 : i32
    return
  }
}

#map = affine_map<(d0, d1) -> (0, 0)>
#map1 = affine_map<(d0, d1) -> (0, 0, 0)>
module attributes {stable_mosaic.version = 14 : i64} {
  func.func @_gather_body(%arg0: i32, %arg1: i32, %arg2: memref<10000x64xf32, #tpu.memory_space<hbm>>, %arg3: memref<1280x128xi32, #tpu.memory_space<hbm>>, %arg4: memref<1250x128x64xf32, #tpu.memory_space<hbm>>, %arg5: memref<40x128xi32, #tpu.memory_space<vmem>>, %arg6: memref<128x64xf32, #tpu.memory_space<vmem>>, %arg7: memref<128x64xf32, #tpu.memory_space<vmem>>, %arg8: memref<!tpu.dma_semaphore, #tpu.memory_space<semaphore_mem>>, %arg9: memref<!tpu.dma_semaphore, #tpu.memory_space<semaphore_mem>>) attributes {dimension_semantics = [#tpu.dimension_semantics<core_parallel>, #tpu.dimension_semantics<subcore_parallel>], iteration_bounds = array<i64: 2, 16>, scalar_prefetch = 0 : i64, scratch_operands = 5 : i64, tpu.core_type = #tpu.core_type<sc_vector_subcore>, window_params = [{transform_indices = #map}, {transform_indices = #map}, {transform_indices = #map1}]} {
    %mul3A = arith.constant 2 : i32
    %mul3A_0 = arith.muli %arg1, %mul3A : i32
    %add3A = arith.addi %mul3A_0, %arg0 : i32
    %mul3A_1 = arith.constant 40 : i32
    %mul3A_2 = arith.muli %add3A, %mul3A_1 : i32
    %sub3A = arith.constant 1250 : i32
    %sub3A_3 = arith.subi %sub3A, %mul3A_2 : i32
    %min3A = arith.constant 40 : i32
    %min3A_4 = arith.minsi %min3A, %sub3A_3 : i32
    "tpu.region"() ({
      %run_scoped3A = tpu.sem_alloc : memref<!tpu.dma_semaphore, #tpu.memory_space<semaphore_mem>>
      %dma_start3A_16 = arith.constant 0 : i32
      %dma_start3A_17 = tpu.memref_slice %arg3[%mul3A_2, %dma_start3A_16] : memref<1280x128xi32, #tpu.memory_space<hbm>> -> memref<40x128xi32, #tpu.memory_space<hbm>>
      %dma_start3A_18 = arith.constant 0 : i32
      %dma_start3A_19 = tpu.memref_slice %arg3[%mul3A_2, %dma_start3A_18] : memref<1280x128xi32, #tpu.memory_space<hbm>> -> memref<40x128xi32, #tpu.memory_space<hbm>>
      tpu.enqueue_dma source(%dma_start3A_19 : memref<40x128xi32, #tpu.memory_space<hbm>>) target(%arg5 : memref<40x128xi32, #tpu.memory_space<vmem>>) target_semaphore(%run_scoped3A : memref<!tpu.dma_semaphore, #tpu.memory_space<semaphore_mem>>)
      %dma_wait3A = arith.constant 0 : i32
      %dma_wait3A_20 = tpu.memref_slice %arg3[%mul3A_2, %dma_wait3A] : memref<1280x128xi32, #tpu.memory_space<hbm>> -> memref<40x128xi32, #tpu.memory_space<hbm>>
      %dma_wait3A_21 = arith.constant 0 : i32
      %dma_wait3A_22 = tpu.memref_slice %arg3[%mul3A_2, %dma_wait3A_21] : memref<1280x128xi32, #tpu.memory_space<hbm>> -> memref<40x128xi32, #tpu.memory_space<hbm>>
      tpu.wait_dma2 semaphore(%run_scoped3A : memref<!tpu.dma_semaphore, #tpu.memory_space<semaphore_mem>>) src(%dma_wait3A_22 : memref<40x128xi32, #tpu.memory_space<hbm>>) dst(%arg5 : memref<40x128xi32, #tpu.memory_space<vmem>>)
      tpu.yield
    }) : () -> ()
    %dma_start3A = arith.constant 0 : i32
    %dma_start3A_5 = arith.constant 0 : i32
    %dma_start3A_6 = tpu.memref_slice %arg5[%dma_start3A, %dma_start3A_5] : memref<40x128xi32, #tpu.memory_space<vmem>> -> memref<1x128xi32, #tpu.memory_space<vmem>>
    %dma_start3A_7 = tpu.memref_squeeze %dma_start3A_6 : memref<1x128xi32, #tpu.memory_space<vmem>> -> memref<128xi32, #tpu.memory_space<vmem>>
    %dma_start3A_8 = arith.constant 0 : i32
    %dma_start3A_9 = arith.constant 0 : i32
    %dma_start3A_10 = tpu.memref_slice %arg2[%dma_start3A_8, %dma_start3A_9] : memref<10000x64xf32, #tpu.memory_space<hbm>> -> memref<10000x64xf32, #tpu.memory_space<hbm>>
    tpu.enqueue_indirect_dma source(%dma_start3A_10 : memref<10000x64xf32, #tpu.memory_space<hbm>>) target(%arg6 : memref<128x64xf32, #tpu.memory_space<vmem>>) offsets(%dma_start3A_7 : memref<128xi32, #tpu.memory_space<vmem>>) semaphore(%arg8 : memref<!tpu.dma_semaphore, #tpu.memory_space<semaphore_mem>>)
    %scan3A = arith.constant 0 : i32
    %scan3A_11 = arith.constant 0 : i32
    %scan3A_12 = arith.constant 20 : i32
    %scan3A_13 = arith.addi %scan3A_11, %scan3A_12 : i32
    %scan3A_14 = arith.constant 1 : i32
    scf.for %scan3A_16 = %scan3A_11 to %scan3A_13 step %scan3A_14  : i32 {
      %mul3A_17 = arith.constant 2 : i32
      %mul3A_18 = arith.muli %mul3A_17, %scan3A_16 : i32
      %add3A_19 = arith.constant 1 : i32
      %add3A_20 = arith.addi %mul3A_18, %add3A_19 : i32
      %lt3A = arith.cmpi slt, %mul3A_18, %min3A_4 : i32
      %convert_element_type3A = arith.extui %lt3A : i1 to i32
      %cond3A = arith.constant 0 : i32
      %cond3A_21 = arith.cmpi ne, %convert_element_type3A, %cond3A : i32
      scf.if %cond3A_21 {
        %lt3A_26 = arith.cmpi slt, %add3A_20, %min3A_4 : i32
        %convert_element_type3A_27 = arith.extui %lt3A_26 : i1 to i32
        %cond3A_28 = arith.constant 0 : i32
        %cond3A_29 = arith.cmpi ne, %convert_element_type3A_27, %cond3A_28 : i32
        scf.if %cond3A_29 {
          %dma_start3A_36 = arith.constant 0 : i32
          %dma_start3A_37 = tpu.memref_slice %arg5[%add3A_20, %dma_start3A_36] : memref<40x128xi32, #tpu.memory_space<vmem>> -> memref<1x128xi32, #tpu.memory_space<vmem>>
          %dma_start3A_38 = tpu.memref_squeeze %dma_start3A_37 : memref<1x128xi32, #tpu.memory_space<vmem>> -> memref<128xi32, #tpu.memory_space<vmem>>
          %dma_start3A_39 = arith.constant 0 : i32
          %dma_start3A_40 = arith.constant 0 : i32
          %dma_start3A_41 = tpu.memref_slice %arg2[%dma_start3A_39, %dma_start3A_40] : memref<10000x64xf32, #tpu.memory_space<hbm>> -> memref<10000x64xf32, #tpu.memory_space<hbm>>
          tpu.enqueue_indirect_dma source(%dma_start3A_41 : memref<10000x64xf32, #tpu.memory_space<hbm>>) target(%arg7 : memref<128x64xf32, #tpu.memory_space<vmem>>) offsets(%dma_start3A_38 : memref<128xi32, #tpu.memory_space<vmem>>) semaphore(%arg9 : memref<!tpu.dma_semaphore, #tpu.memory_space<semaphore_mem>>)
        } else {
        }
        %dma_wait3A = arith.constant 0 : i32
        %dma_wait3A_30 = tpu.memref_slice %arg5[%mul3A_18, %dma_wait3A] : memref<40x128xi32, #tpu.memory_space<vmem>> -> memref<1x128xi32, #tpu.memory_space<vmem>>
        %dma_wait3A_31 = tpu.memref_squeeze %dma_wait3A_30 : memref<1x128xi32, #tpu.memory_space<vmem>> -> memref<128xi32, #tpu.memory_space<vmem>>
        %dma_wait3A_32 = arith.constant 0 : i32
        %dma_wait3A_33 = arith.constant 0 : i32
        %dma_wait3A_34 = tpu.memref_slice %arg2[%dma_wait3A_32, %dma_wait3A_33] : memref<10000x64xf32, #tpu.memory_space<hbm>> -> memref<10000x64xf32, #tpu.memory_space<hbm>>
        tpu.wait_indirect_dma semaphore(%arg8 : memref<!tpu.dma_semaphore, #tpu.memory_space<semaphore_mem>>) src(%dma_wait3A_34 : memref<10000x64xf32, #tpu.memory_space<hbm>>) dst(%arg6 : memref<128x64xf32, #tpu.memory_space<vmem>>)
        %add3A_35 = arith.addi %mul3A_2, %mul3A_18 : i32
        "tpu.region"() ({
          %run_scoped3A = tpu.sem_alloc : memref<!tpu.dma_semaphore, #tpu.memory_space<semaphore_mem>>
          %dma_start3A_36 = arith.constant 0 : i32
          %dma_start3A_37 = arith.constant 0 : i32
          %dma_start3A_38 = tpu.memref_slice %arg4[%add3A_35, %dma_start3A_36, %dma_start3A_37] : memref<1250x128x64xf32, #tpu.memory_space<hbm>> -> memref<1x128x64xf32, #tpu.memory_space<hbm>>
          %dma_start3A_39 = tpu.memref_squeeze %dma_start3A_38 : memref<1x128x64xf32, #tpu.memory_space<hbm>> -> memref<128x64xf32, #tpu.memory_space<hbm>>
          %dma_start3A_40 = arith.constant 0 : i32
          %dma_start3A_41 = arith.constant 0 : i32
          %dma_start3A_42 = tpu.memref_slice %arg4[%add3A_35, %dma_start3A_40, %dma_start3A_41] : memref<1250x128x64xf32, #tpu.memory_space<hbm>> -> memref<1x128x64xf32, #tpu.memory_space<hbm>>
          %dma_start3A_43 = tpu.memref_squeeze %dma_start3A_42 : memref<1x128x64xf32, #tpu.memory_space<hbm>> -> memref<128x64xf32, #tpu.memory_space<hbm>>
          tpu.enqueue_dma source(%arg6 : memref<128x64xf32, #tpu.memory_space<vmem>>) target(%dma_start3A_43 : memref<128x64xf32, #tpu.memory_space<hbm>>) target_semaphore(%run_scoped3A : memref<!tpu.dma_semaphore, #tpu.memory_space<semaphore_mem>>)
          %dma_wait3A_44 = arith.constant 0 : i32
          %dma_wait3A_45 = arith.constant 0 : i32
          %dma_wait3A_46 = tpu.memref_slice %arg4[%add3A_35, %dma_wait3A_44, %dma_wait3A_45] : memref<1250x128x64xf32, #tpu.memory_space<hbm>> -> memref<1x128x64xf32, #tpu.memory_space<hbm>>
          %dma_wait3A_47 = tpu.memref_squeeze %dma_wait3A_46 : memref<1x128x64xf32, #tpu.memory_space<hbm>> -> memref<128x64xf32, #tpu.memory_space<hbm>>
          %dma_wait3A_48 = arith.constant 0 : i32
          %dma_wait3A_49 = arith.constant 0 : i32
          %dma_wait3A_50 = tpu.memref_slice %arg4[%add3A_35, %dma_wait3A_48, %dma_wait3A_49] : memref<1250x128x64xf32, #tpu.memory_space<hbm>> -> memref<1x128x64xf32, #tpu.memory_space<hbm>>
          %dma_wait3A_51 = tpu.memref_squeeze %dma_wait3A_50 : memref<1x128x64xf32, #tpu.memory_space<hbm>> -> memref<128x64xf32, #tpu.memory_space<hbm>>
          tpu.wait_dma2 semaphore(%run_scoped3A : memref<!tpu.dma_semaphore, #tpu.memory_space<semaphore_mem>>) src(%arg6 : memref<128x64xf32, #tpu.memory_space<vmem>>) dst(%dma_wait3A_51 : memref<128x64xf32, #tpu.memory_space<hbm>>)
          tpu.yield
        }) : () -> ()
      } else {
      }
      %lt3A_22 = arith.cmpi slt, %add3A_20, %min3A_4 : i32
      %convert_element_type3A_23 = arith.extui %lt3A_22 : i1 to i32
      %cond3A_24 = arith.constant 0 : i32
      %cond3A_25 = arith.cmpi ne, %convert_element_type3A_23, %cond3A_24 : i32
      scf.if %cond3A_25 {
        %add3A_26 = arith.constant 1 : i32
        %add3A_27 = arith.addi %add3A_20, %add3A_26 : i32
        %lt3A_28 = arith.cmpi slt, %add3A_27, %min3A_4 : i32
        %convert_element_type3A_29 = arith.extui %lt3A_28 : i1 to i32
        %cond3A_30 = arith.constant 0 : i32
        %cond3A_31 = arith.cmpi ne, %convert_element_type3A_29, %cond3A_30 : i32
        scf.if %cond3A_31 {
          %add3A_38 = arith.constant 1 : i32
          %add3A_39 = arith.addi %add3A_20, %add3A_38 : i32
          %dma_start3A_40 = arith.constant 0 : i32
          %dma_start3A_41 = tpu.memref_slice %arg5[%add3A_39, %dma_start3A_40] : memref<40x128xi32, #tpu.memory_space<vmem>> -> memref<1x128xi32, #tpu.memory_space<vmem>>
          %dma_start3A_42 = tpu.memref_squeeze %dma_start3A_41 : memref<1x128xi32, #tpu.memory_space<vmem>> -> memref<128xi32, #tpu.memory_space<vmem>>
          %dma_start3A_43 = arith.constant 0 : i32
          %dma_start3A_44 = arith.constant 0 : i32
          %dma_start3A_45 = tpu.memref_slice %arg2[%dma_start3A_43, %dma_start3A_44] : memref<10000x64xf32, #tpu.memory_space<hbm>> -> memref<10000x64xf32, #tpu.memory_space<hbm>>
          tpu.enqueue_indirect_dma source(%dma_start3A_45 : memref<10000x64xf32, #tpu.memory_space<hbm>>) target(%arg6 : memref<128x64xf32, #tpu.memory_space<vmem>>) offsets(%dma_start3A_42 : memref<128xi32, #tpu.memory_space<vmem>>) semaphore(%arg8 : memref<!tpu.dma_semaphore, #tpu.memory_space<semaphore_mem>>)
        } else {
        }
        %dma_wait3A = arith.constant 0 : i32
        %dma_wait3A_32 = tpu.memref_slice %arg5[%add3A_20, %dma_wait3A] : memref<40x128xi32, #tpu.memory_space<vmem>> -> memref<1x128xi32, #tpu.memory_space<vmem>>
        %dma_wait3A_33 = tpu.memref_squeeze %dma_wait3A_32 : memref<1x128xi32, #tpu.memory_space<vmem>> -> memref<128xi32, #tpu.memory_space<vmem>>
        %dma_wait3A_34 = arith.constant 0 : i32
        %dma_wait3A_35 = arith.constant 0 : i32
        %dma_wait3A_36 = tpu.memref_slice %arg2[%dma_wait3A_34, %dma_wait3A_35] : memref<10000x64xf32, #tpu.memory_space<hbm>> -> memref<10000x64xf32, #tpu.memory_space<hbm>>
        tpu.wait_indirect_dma semaphore(%arg9 : memref<!tpu.dma_semaphore, #tpu.memory_space<semaphore_mem>>) src(%dma_wait3A_36 : memref<10000x64xf32, #tpu.memory_space<hbm>>) dst(%arg7 : memref<128x64xf32, #tpu.memory_space<vmem>>)
        %add3A_37 = arith.addi %mul3A_2, %add3A_20 : i32
        "tpu.region"() ({
          %run_scoped3A = tpu.sem_alloc : memref<!tpu.dma_semaphore, #tpu.memory_space<semaphore_mem>>
          %dma_start3A_38 = arith.constant 0 : i32
          %dma_start3A_39 = arith.constant 0 : i32
          %dma_start3A_40 = tpu.memref_slice %arg4[%add3A_37, %dma_start3A_38, %dma_start3A_39] : memref<1250x128x64xf32, #tpu.memory_space<hbm>> -> memref<1x128x64xf32, #tpu.memory_space<hbm>>
          %dma_start3A_41 = tpu.memref_squeeze %dma_start3A_40 : memref<1x128x64xf32, #tpu.memory_space<hbm>> -> memref<128x64xf32, #tpu.memory_space<hbm>>
          %dma_start3A_42 = arith.constant 0 : i32
          %dma_start3A_43 = arith.constant 0 : i32
          %dma_start3A_44 = tpu.memref_slice %arg4[%add3A_37, %dma_start3A_42, %dma_start3A_43] : memref<1250x128x64xf32, #tpu.memory_space<hbm>> -> memref<1x128x64xf32, #tpu.memory_space<hbm>>
          %dma_start3A_45 = tpu.memref_squeeze %dma_start3A_44 : memref<1x128x64xf32, #tpu.memory_space<hbm>> -> memref<128x64xf32, #tpu.memory_space<hbm>>
          tpu.enqueue_dma source(%arg7 : memref<128x64xf32, #tpu.memory_space<vmem>>) target(%dma_start3A_45 : memref<128x64xf32, #tpu.memory_space<hbm>>) target_semaphore(%run_scoped3A : memref<!tpu.dma_semaphore, #tpu.memory_space<semaphore_mem>>)
          %dma_wait3A_46 = arith.constant 0 : i32
          %dma_wait3A_47 = arith.constant 0 : i32
          %dma_wait3A_48 = tpu.memref_slice %arg4[%add3A_37, %dma_wait3A_46, %dma_wait3A_47] : memref<1250x128x64xf32, #tpu.memory_space<hbm>> -> memref<1x128x64xf32, #tpu.memory_space<hbm>>
          %dma_wait3A_49 = tpu.memref_squeeze %dma_wait3A_48 : memref<1x128x64xf32, #tpu.memory_space<hbm>> -> memref<128x64xf32, #tpu.memory_space<hbm>>
          %dma_wait3A_50 = arith.constant 0 : i32
          %dma_wait3A_51 = arith.constant 0 : i32
          %dma_wait3A_52 = tpu.memref_slice %arg4[%add3A_37, %dma_wait3A_50, %dma_wait3A_51] : memref<1250x128x64xf32, #tpu.memory_space<hbm>> -> memref<1x128x64xf32, #tpu.memory_space<hbm>>
          %dma_wait3A_53 = tpu.memref_squeeze %dma_wait3A_52 : memref<1x128x64xf32, #tpu.memory_space<hbm>> -> memref<128x64xf32, #tpu.memory_space<hbm>>
          tpu.wait_dma2 semaphore(%run_scoped3A : memref<!tpu.dma_semaphore, #tpu.memory_space<semaphore_mem>>) src(%arg7 : memref<128x64xf32, #tpu.memory_space<vmem>>) dst(%dma_wait3A_53 : memref<128x64xf32, #tpu.memory_space<hbm>>)
          tpu.yield
        }) : () -> ()
      } else {
      }
    }
    %scan3A_15 = arith.constant 20 : i32
    return
  }
}

module attributes {stable_mosaic.version = 14 : i64} {
  func.func @_precompute_body(%arg0: memref<10000x128xf32, #tpu.memory_space<vmem>>, %arg1: memref<128x128xf32, #tpu.memory_space<vmem>>, %arg2: memref<1x64xf32, #tpu.memory_space<vmem>>, %arg3: memref<10000x128xf32, #tpu.memory_space<vmem>>, %arg4: memref<10000x64xf32, #tpu.memory_space<vmem>>) attributes {dimension_semantics = [], scalar_prefetch = 0 : i64, scratch_operands = 0 : i64, tpu.core_type = #tpu.core_type<tc>} {
    %get3A = arith.constant 0 : index
    %get3A_0 = arith.constant 0 : index
    %get3A_1 = vector.load %arg0[%get3A, %get3A_0] : memref<10000x128xf32, #tpu.memory_space<vmem>>, vector<10000x128xf32>
    %convert_element_type3A = arith.truncf %get3A_1 : vector<10000x128xf32> to vector<10000x128xbf16>
    %get3A_2 = arith.constant 0 : index
    %get3A_3 = arith.constant 0 : index
    %get3A_4 = vector.load %arg1[%get3A_2, %get3A_3] : memref<128x128xf32, #tpu.memory_space<vmem>>, vector<128x128xf32>
    %convert_element_type3A_5 = arith.truncf %get3A_4 : vector<128x128xf32> to vector<128x128xbf16>
    %dot_general3A = arith.constant dense<0.000000e+00> : vector<10000x128xf32>
    %dot_general3A_6 = tpu.matmul %convert_element_type3A, %convert_element_type3A_5, %dot_general3A {dimension_numbers = #tpu.dot_dimension_numbers<[1], [0], [0], [1], [0, 0, 1, 1], [], []>, transpose_lhs_hint = false} : vector<10000x128xbf16>, vector<128x128xbf16>, vector<10000x128xf32> -> vector<10000x128xf32>
    %slice3A = vector.extract_strided_slice %dot_general3A_6 {offsets = [0, 0], sizes = [10000, 64], strides = [1, 1]} : vector<10000x128xf32> to vector<10000x64xf32>
    %get3A_7 = arith.constant 0 : index
    %get3A_8 = arith.constant 0 : index
    %get3A_9 = vector.load %arg2[%get3A_7, %get3A_8] : memref<1x64xf32, #tpu.memory_space<vmem>>, vector<1x64xf32>
    %add3A = vector.broadcast %get3A_9 : vector<1x64xf32> to vector<10000x64xf32>
    %add3A_10 = arith.addf %slice3A, %add3A : vector<10000x64xf32>
    %concatenate3A = tpu.concatenate %add3A_10, %add3A_10 in 1 : vector<10000x64xf32>, vector<10000x64xf32> -> vector<10000x128xf32>
    %swap3A = arith.constant 0 : index
    %swap3A_11 = arith.constant 0 : index
    %swap3A_12 = vector.load %arg3[%swap3A, %swap3A_11] : memref<10000x128xf32, #tpu.memory_space<vmem>>, vector<10000x128xf32>
    tpu.vector_store %arg3[%swap3A, %swap3A_11], %concatenate3A {strides = array<i32>} : memref<10000x128xf32, #tpu.memory_space<vmem>>, vector<10000x128xf32>,
    %slice3A_13 = vector.extract_strided_slice %dot_general3A_6 {offsets = [0, 64], sizes = [10000, 64], strides = [1, 1]} : vector<10000x128xf32> to vector<10000x64xf32>
    %swap3A_14 = arith.constant 0 : index
    %swap3A_15 = arith.constant 0 : index
    %swap3A_16 = vector.load %arg4[%swap3A_14, %swap3A_15] : memref<10000x64xf32, #tpu.memory_space<vmem>>, vector<10000x64xf32>
    tpu.vector_store %arg4[%swap3A_14, %swap3A_15], %slice3A_13 {strides = array<i32>} : memref<10000x64xf32, #tpu.memory_space<vmem>>, vector<10000x64xf32>,
    return
  }
}

module attributes {stable_mosaic.version = 14 : i64} {
  func.func @_score_body(%arg0: i32, %arg1: memref<200x128xf32, #tpu.memory_space<vmem>>, %arg2: memref<200x16x128xf32, #tpu.memory_space<vmem>>, %arg3: memref<200x32xi32, #tpu.memory_space<vmem>>, %arg4: memref<2048x32xf32, #tpu.memory_space<vmem>>, %arg5: memref<1xf32, #tpu.memory_space<smem>>, %arg6: memref<200x4xi32, #tpu.memory_space<vmem>>, %arg7: memref<200x4xf32, #tpu.memory_space<vmem>>) attributes {dimension_semantics = [#tpu.dimension_semantics<arbitrary>], iteration_bounds = array<i64: 25>, scalar_prefetch = 0 : i64, scratch_operands = 0 : i64, tpu.core_type = #tpu.core_type<tc>, window_params = [{transform_indices = @transform_0, window_bounds = array<i64: 200, 128>}, {transform_indices = @transform_1, window_bounds = array<i64: 200, 16, 128>}, {transform_indices = @transform_2, window_bounds = array<i64: 200, 32>}, {pipeline_mode = #tpu.pipeline_mode<synchronous>, transform_indices = @transform_3, window_bounds = array<i64: 2048, 32>}, {transform_indices = @transform_4, window_bounds = array<i64: 1>}, {transform_indices = @transform_5, window_bounds = array<i64: 200, 4>}, {transform_indices = @transform_6, window_bounds = array<i64: 200, 4>}]} {
    %get3A = arith.constant 0 : index
    %get3A_0 = arith.constant 0 : index
    %get3A_1 = vector.load %arg1[%get3A, %get3A_0] : memref<200x128xf32, #tpu.memory_space<vmem>>, vector<200x128xf32>
    %broadcast_in_dim3A = arith.constant 0.000000e+00 : f32
    %broadcast_in_dim3A_2 = vector.broadcast %broadcast_in_dim3A : f32 to vector<200x32xf32>
    %get3A_3 = arith.constant 0 : index
    %get3A_4 = arith.constant 0 : index
    %get3A_5 = arith.constant 0 : index
    %get3A_6 = vector.load %arg2[%get3A_3, %get3A_4, %get3A_5] : memref<200x16x128xf32, #tpu.memory_space<vmem>>, vector<200x1x128xf32>
    %get3A_7 = vector.shape_cast %get3A_6 : vector<200x1x128xf32> to vector<200x128xf32>
    %add3A = arith.addf %get3A_1, %get3A_7 : vector<200x128xf32>
    %max3A = arith.constant 0.000000e+00 : f32
    %max3A_8 = vector.broadcast %max3A : f32 to vector<200x128xf32>
    %max3A_9 = arith.maximumf %add3A, %max3A_8 : vector<200x128xf32>
    %convert_element_type3A = arith.truncf %max3A_9 : vector<200x128xf32> to vector<200x128xbf16>
    %get3A_10 = arith.constant 0 : index
    %get3A_11 = arith.constant 0 : index
    %get3A_12 = vector.load %arg4[%get3A_10, %get3A_11] : memref<2048x32xf32, #tpu.memory_space<vmem>>, vector<128x32xf32>
    %convert_element_type3A_13 = arith.truncf %get3A_12 : vector<128x32xf32> to vector<128x32xbf16>
    %dot_general3A = arith.constant dense<0.000000e+00> : vector<200x32xf32>
    %dot_general3A_14 = tpu.matmul %convert_element_type3A, %convert_element_type3A_13, %dot_general3A {dimension_numbers = #tpu.dot_dimension_numbers<[1], [0], [0], [1], [0, 0, 1, 1], [], []>, transpose_lhs_hint = false} : vector<200x128xbf16>, vector<128x32xbf16>, vector<200x32xf32> -> vector<200x32xf32>
    %add3A_15 = arith.addf %broadcast_in_dim3A_2, %dot_general3A_14 : vector<200x32xf32>
    %get3A_16 = arith.constant 0 : index
    %get3A_17 = arith.constant 1 : index
    %get3A_18 = arith.constant 0 : index
    %get3A_19 = vector.load %arg2[%get3A_16, %get3A_17, %get3A_18] : memref<200x16x128xf32, #tpu.memory_space<vmem>>, vector<200x1x128xf32>
    %get3A_20 = vector.shape_cast %get3A_19 : vector<200x1x128xf32> to vector<200x128xf32>
    %add3A_21 = arith.addf %get3A_1, %get3A_20 : vector<200x128xf32>
    %max3A_22 = arith.constant 0.000000e+00 : f32
    %max3A_23 = vector.broadcast %max3A_22 : f32 to vector<200x128xf32>
    %max3A_24 = arith.maximumf %add3A_21, %max3A_23 : vector<200x128xf32>
    %convert_element_type3A_25 = arith.truncf %max3A_24 : vector<200x128xf32> to vector<200x128xbf16>
    %get3A_26 = arith.constant 128 : index
    %get3A_27 = arith.constant 0 : index
    %get3A_28 = vector.load %arg4[%get3A_26, %get3A_27] : memref<2048x32xf32, #tpu.memory_space<vmem>>, vector<128x32xf32>
    %convert_element_type3A_29 = arith.truncf %get3A_28 : vector<128x32xf32> to vector<128x32xbf16>
    %dot_general3A_30 = arith.constant dense<0.000000e+00> : vector<200x32xf32>
    %dot_general3A_31 = tpu.matmul %convert_element_type3A_25, %convert_element_type3A_29, %dot_general3A_30 {dimension_numbers = #tpu.dot_dimension_numbers<[1], [0], [0], [1], [0, 0, 1, 1], [], []>, transpose_lhs_hint = false} : vector<200x128xbf16>, vector<128x32xbf16>, vector<200x32xf32> -> vector<200x32xf32>
    %add3A_32 = arith.addf %add3A_15, %dot_general3A_31 : vector<200x32xf32>
    %get3A_33 = arith.constant 0 : index
    %get3A_34 = arith.constant 2 : index
    %get3A_35 = arith.constant 0 : index
    %get3A_36 = vector.load %arg2[%get3A_33, %get3A_34, %get3A_35] : memref<200x16x128xf32, #tpu.memory_space<vmem>>, vector<200x1x128xf32>
    %get3A_37 = vector.shape_cast %get3A_36 : vector<200x1x128xf32> to vector<200x128xf32>
    %add3A_38 = arith.addf %get3A_1, %get3A_37 : vector<200x128xf32>
    %max3A_39 = arith.constant 0.000000e+00 : f32
    %max3A_40 = vector.broadcast %max3A_39 : f32 to vector<200x128xf32>
    %max3A_41 = arith.maximumf %add3A_38, %max3A_40 : vector<200x128xf32>
    %convert_element_type3A_42 = arith.truncf %max3A_41 : vector<200x128xf32> to vector<200x128xbf16>
    %get3A_43 = arith.constant 256 : index
    %get3A_44 = arith.constant 0 : index
    %get3A_45 = vector.load %arg4[%get3A_43, %get3A_44] : memref<2048x32xf32, #tpu.memory_space<vmem>>, vector<128x32xf32>
    %convert_element_type3A_46 = arith.truncf %get3A_45 : vector<128x32xf32> to vector<128x32xbf16>
    %dot_general3A_47 = arith.constant dense<0.000000e+00> : vector<200x32xf32>
    %dot_general3A_48 = tpu.matmul %convert_element_type3A_42, %convert_element_type3A_46, %dot_general3A_47 {dimension_numbers = #tpu.dot_dimension_numbers<[1], [0], [0], [1], [0, 0, 1, 1], [], []>, transpose_lhs_hint = false} : vector<200x128xbf16>, vector<128x32xbf16>, vector<200x32xf32> -> vector<200x32xf32>
    %add3A_49 = arith.addf %add3A_32, %dot_general3A_48 : vector<200x32xf32>
    %get3A_50 = arith.constant 0 : index
    %get3A_51 = arith.constant 3 : index
    %get3A_52 = arith.constant 0 : index
    %get3A_53 = vector.load %arg2[%get3A_50, %get3A_51, %get3A_52] : memref<200x16x128xf32, #tpu.memory_space<vmem>>, vector<200x1x128xf32>
    %get3A_54 = vector.shape_cast %get3A_53 : vector<200x1x128xf32> to vector<200x128xf32>
    %add3A_55 = arith.addf %get3A_1, %get3A_54 : vector<200x128xf32>
    %max3A_56 = arith.constant 0.000000e+00 : f32
    %max3A_57 = vector.broadcast %max3A_56 : f32 to vector<200x128xf32>
    %max3A_58 = arith.maximumf %add3A_55, %max3A_57 : vector<200x128xf32>
    %convert_element_type3A_59 = arith.truncf %max3A_58 : vector<200x128xf32> to vector<200x128xbf16>
    %get3A_60 = arith.constant 384 : index
    %get3A_61 = arith.constant 0 : index
    %get3A_62 = vector.load %arg4[%get3A_60, %get3A_61] : memref<2048x32xf32, #tpu.memory_space<vmem>>, vector<128x32xf32>
    %convert_element_type3A_63 = arith.truncf %get3A_62 : vector<128x32xf32> to vector<128x32xbf16>
    %dot_general3A_64 = arith.constant dense<0.000000e+00> : vector<200x32xf32>
    %dot_general3A_65 = tpu.matmul %convert_element_type3A_59, %convert_element_type3A_63, %dot_general3A_64 {dimension_numbers = #tpu.dot_dimension_numbers<[1], [0], [0], [1], [0, 0, 1, 1], [], []>, transpose_lhs_hint = false} : vector<200x128xbf16>, vector<128x32xbf16>, vector<200x32xf32> -> vector<200x32xf32>
    %add3A_66 = arith.addf %add3A_49, %dot_general3A_65 : vector<200x32xf32>
    %get3A_67 = arith.constant 0 : index
    %get3A_68 = arith.constant 4 : index
    %get3A_69 = arith.constant 0 : index
    %get3A_70 = vector.load %arg2[%get3A_67, %get3A_68, %get3A_69] : memref<200x16x128xf32, #tpu.memory_space<vmem>>, vector<200x1x128xf32>
    %get3A_71 = vector.shape_cast %get3A_70 : vector<200x1x128xf32> to vector<200x128xf32>
    %add3A_72 = arith.addf %get3A_1, %get3A_71 : vector<200x128xf32>
    %max3A_73 = arith.constant 0.000000e+00 : f32
    %max3A_74 = vector.broadcast %max3A_73 : f32 to vector<200x128xf32>
    %max3A_75 = arith.maximumf %add3A_72, %max3A_74 : vector<200x128xf32>
    %convert_element_type3A_76 = arith.truncf %max3A_75 : vector<200x128xf32> to vector<200x128xbf16>
    %get3A_77 = arith.constant 512 : index
    %get3A_78 = arith.constant 0 : index
    %get3A_79 = vector.load %arg4[%get3A_77, %get3A_78] : memref<2048x32xf32, #tpu.memory_space<vmem>>, vector<128x32xf32>
    %convert_element_type3A_80 = arith.truncf %get3A_79 : vector<128x32xf32> to vector<128x32xbf16>
    %dot_general3A_81 = arith.constant dense<0.000000e+00> : vector<200x32xf32>
    %dot_general3A_82 = tpu.matmul %convert_element_type3A_76, %convert_element_type3A_80, %dot_general3A_81 {dimension_numbers = #tpu.dot_dimension_numbers<[1], [0], [0], [1], [0, 0, 1, 1], [], []>, transpose_lhs_hint = false} : vector<200x128xbf16>, vector<128x32xbf16>, vector<200x32xf32> -> vector<200x32xf32>
    %add3A_83 = arith.addf %add3A_66, %dot_general3A_82 : vector<200x32xf32>
    %get3A_84 = arith.constant 0 : index
    %get3A_85 = arith.constant 5 : index
    %get3A_86 = arith.constant 0 : index
    %get3A_87 = vector.load %arg2[%get3A_84, %get3A_85, %get3A_86] : memref<200x16x128xf32, #tpu.memory_space<vmem>>, vector<200x1x128xf32>
    %get3A_88 = vector.shape_cast %get3A_87 : vector<200x1x128xf32> to vector<200x128xf32>
    %add3A_89 = arith.addf %get3A_1, %get3A_88 : vector<200x128xf32>
    %max3A_90 = arith.constant 0.000000e+00 : f32
    %max3A_91 = vector.broadcast %max3A_90 : f32 to vector<200x128xf32>
    %max3A_92 = arith.maximumf %add3A_89, %max3A_91 : vector<200x128xf32>
    %convert_element_type3A_93 = arith.truncf %max3A_92 : vector<200x128xf32> to vector<200x128xbf16>
    %get3A_94 = arith.constant 640 : index
    %get3A_95 = arith.constant 0 : index
    %get3A_96 = vector.load %arg4[%get3A_94, %get3A_95] : memref<2048x32xf32, #tpu.memory_space<vmem>>, vector<128x32xf32>
    %convert_element_type3A_97 = arith.truncf %get3A_96 : vector<128x32xf32> to vector<128x32xbf16>
    %dot_general3A_98 = arith.constant dense<0.000000e+00> : vector<200x32xf32>
    %dot_general3A_99 = tpu.matmul %convert_element_type3A_93, %convert_element_type3A_97, %dot_general3A_98 {dimension_numbers = #tpu.dot_dimension_numbers<[1], [0], [0], [1], [0, 0, 1, 1], [], []>, transpose_lhs_hint = false} : vector<200x128xbf16>, vector<128x32xbf16>, vector<200x32xf32> -> vector<200x32xf32>
    %add3A_100 = arith.addf %add3A_83, %dot_general3A_99 : vector<200x32xf32>
    %get3A_101 = arith.constant 0 : index
    %get3A_102 = arith.constant 6 : index
    %get3A_103 = arith.constant 0 : index
    %get3A_104 = vector.load %arg2[%get3A_101, %get3A_102, %get3A_103] : memref<200x16x128xf32, #tpu.memory_space<vmem>>, vector<200x1x128xf32>
    %get3A_105 = vector.shape_cast %get3A_104 : vector<200x1x128xf32> to vector<200x128xf32>
    %add3A_106 = arith.addf %get3A_1, %get3A_105 : vector<200x128xf32>
    %max3A_107 = arith.constant 0.000000e+00 : f32
    %max3A_108 = vector.broadcast %max3A_107 : f32 to vector<200x128xf32>
    %max3A_109 = arith.maximumf %add3A_106, %max3A_108 : vector<200x128xf32>
    %convert_element_type3A_110 = arith.truncf %max3A_109 : vector<200x128xf32> to vector<200x128xbf16>
    %get3A_111 = arith.constant 768 : index
    %get3A_112 = arith.constant 0 : index
    %get3A_113 = vector.load %arg4[%get3A_111, %get3A_112] : memref<2048x32xf32, #tpu.memory_space<vmem>>, vector<128x32xf32>
    %convert_element_type3A_114 = arith.truncf %get3A_113 : vector<128x32xf32> to vector<128x32xbf16>
    %dot_general3A_115 = arith.constant dense<0.000000e+00> : vector<200x32xf32>
    %dot_general3A_116 = tpu.matmul %convert_element_type3A_110, %convert_element_type3A_114, %dot_general3A_115 {dimension_numbers = #tpu.dot_dimension_numbers<[1], [0], [0], [1], [0, 0, 1, 1], [], []>, transpose_lhs_hint = false} : vector<200x128xbf16>, vector<128x32xbf16>, vector<200x32xf32> -> vector<200x32xf32>
    %add3A_117 = arith.addf %add3A_100, %dot_general3A_116 : vector<200x32xf32>
    %get3A_118 = arith.constant 0 : index
    %get3A_119 = arith.constant 7 : index
    %get3A_120 = arith.constant 0 : index
    %get3A_121 = vector.load %arg2[%get3A_118, %get3A_119, %get3A_120] : memref<200x16x128xf32, #tpu.memory_space<vmem>>, vector<200x1x128xf32>
    %get3A_122 = vector.shape_cast %get3A_121 : vector<200x1x128xf32> to vector<200x128xf32>
    %add3A_123 = arith.addf %get3A_1, %get3A_122 : vector<200x128xf32>
    %max3A_124 = arith.constant 0.000000e+00 : f32
    %max3A_125 = vector.broadcast %max3A_124 : f32 to vector<200x128xf32>
    %max3A_126 = arith.maximumf %add3A_123, %max3A_125 : vector<200x128xf32>
    %convert_element_type3A_127 = arith.truncf %max3A_126 : vector<200x128xf32> to vector<200x128xbf16>
    %get3A_128 = arith.constant 896 : index
    %get3A_129 = arith.constant 0 : index
    %get3A_130 = vector.load %arg4[%get3A_128, %get3A_129] : memref<2048x32xf32, #tpu.memory_space<vmem>>, vector<128x32xf32>
    %convert_element_type3A_131 = arith.truncf %get3A_130 : vector<128x32xf32> to vector<128x32xbf16>
    %dot_general3A_132 = arith.constant dense<0.000000e+00> : vector<200x32xf32>
    %dot_general3A_133 = tpu.matmul %convert_element_type3A_127, %convert_element_type3A_131, %dot_general3A_132 {dimension_numbers = #tpu.dot_dimension_numbers<[1], [0], [0], [1], [0, 0, 1, 1], [], []>, transpose_lhs_hint = false} : vector<200x128xbf16>, vector<128x32xbf16>, vector<200x32xf32> -> vector<200x32xf32>
    %add3A_134 = arith.addf %add3A_117, %dot_general3A_133 : vector<200x32xf32>
    %get3A_135 = arith.constant 0 : index
    %get3A_136 = arith.constant 8 : index
    %get3A_137 = arith.constant 0 : index
    %get3A_138 = vector.load %arg2[%get3A_135, %get3A_136, %get3A_137] : memref<200x16x128xf32, #tpu.memory_space<vmem>>, vector<200x1x128xf32>
    %get3A_139 = vector.shape_cast %get3A_138 : vector<200x1x128xf32> to vector<200x128xf32>
    %add3A_140 = arith.addf %get3A_1, %get3A_139 : vector<200x128xf32>
    %max3A_141 = arith.constant 0.000000e+00 : f32
    %max3A_142 = vector.broadcast %max3A_141 : f32 to vector<200x128xf32>
    %max3A_143 = arith.maximumf %add3A_140, %max3A_142 : vector<200x128xf32>
    %convert_element_type3A_144 = arith.truncf %max3A_143 : vector<200x128xf32> to vector<200x128xbf16>
    %get3A_145 = arith.constant 1024 : index
    %get3A_146 = arith.constant 0 : index
    %get3A_147 = vector.load %arg4[%get3A_145, %get3A_146] : memref<2048x32xf32, #tpu.memory_space<vmem>>, vector<128x32xf32>
    %convert_element_type3A_148 = arith.truncf %get3A_147 : vector<128x32xf32> to vector<128x32xbf16>
    %dot_general3A_149 = arith.constant dense<0.000000e+00> : vector<200x32xf32>
    %dot_general3A_150 = tpu.matmul %convert_element_type3A_144, %convert_element_type3A_148, %dot_general3A_149 {dimension_numbers = #tpu.dot_dimension_numbers<[1], [0], [0], [1], [0, 0, 1, 1], [], []>, transpose_lhs_hint = false} : vector<200x128xbf16>, vector<128x32xbf16>, vector<200x32xf32> -> vector<200x32xf32>
    %add3A_151 = arith.addf %add3A_134, %dot_general3A_150 : vector<200x32xf32>
    %get3A_152 = arith.constant 0 : index
    %get3A_153 = arith.constant 9 : index
    %get3A_154 = arith.constant 0 : index
    %get3A_155 = vector.load %arg2[%get3A_152, %get3A_153, %get3A_154] : memref<200x16x128xf32, #tpu.memory_space<vmem>>, vector<200x1x128xf32>
    %get3A_156 = vector.shape_cast %get3A_155 : vector<200x1x128xf32> to vector<200x128xf32>
    %add3A_157 = arith.addf %get3A_1, %get3A_156 : vector<200x128xf32>
    %max3A_158 = arith.constant 0.000000e+00 : f32
    %max3A_159 = vector.broadcast %max3A_158 : f32 to vector<200x128xf32>
    %max3A_160 = arith.maximumf %add3A_157, %max3A_159 : vector<200x128xf32>
    %convert_element_type3A_161 = arith.truncf %max3A_160 : vector<200x128xf32> to vector<200x128xbf16>
    %get3A_162 = arith.constant 1152 : index
    %get3A_163 = arith.constant 0 : index
    %get3A_164 = vector.load %arg4[%get3A_162, %get3A_163] : memref<2048x32xf32, #tpu.memory_space<vmem>>, vector<128x32xf32>
    %convert_element_type3A_165 = arith.truncf %get3A_164 : vector<128x32xf32> to vector<128x32xbf16>
    %dot_general3A_166 = arith.constant dense<0.000000e+00> : vector<200x32xf32>
    %dot_general3A_167 = tpu.matmul %convert_element_type3A_161, %convert_element_type3A_165, %dot_general3A_166 {dimension_numbers = #tpu.dot_dimension_numbers<[1], [0], [0], [1], [0, 0, 1, 1], [], []>, transpose_lhs_hint = false} : vector<200x128xbf16>, vector<128x32xbf16>, vector<200x32xf32> -> vector<200x32xf32>
    %add3A_168 = arith.addf %add3A_151, %dot_general3A_167 : vector<200x32xf32>
    %get3A_169 = arith.constant 0 : index
    %get3A_170 = arith.constant 10 : index
    %get3A_171 = arith.constant 0 : index
    %get3A_172 = vector.load %arg2[%get3A_169, %get3A_170, %get3A_171] : memref<200x16x128xf32, #tpu.memory_space<vmem>>, vector<200x1x128xf32>
    %get3A_173 = vector.shape_cast %get3A_172 : vector<200x1x128xf32> to vector<200x128xf32>
    %add3A_174 = arith.addf %get3A_1, %get3A_173 : vector<200x128xf32>
    %max3A_175 = arith.constant 0.000000e+00 : f32
    %max3A_176 = vector.broadcast %max3A_175 : f32 to vector<200x128xf32>
    %max3A_177 = arith.maximumf %add3A_174, %max3A_176 : vector<200x128xf32>
    %convert_element_type3A_178 = arith.truncf %max3A_177 : vector<200x128xf32> to vector<200x128xbf16>
    %get3A_179 = arith.constant 1280 : index
    %get3A_180 = arith.constant 0 : index
    %get3A_181 = vector.load %arg4[%get3A_179, %get3A_180] : memref<2048x32xf32, #tpu.memory_space<vmem>>, vector<128x32xf32>
    %convert_element_type3A_182 = arith.truncf %get3A_181 : vector<128x32xf32> to vector<128x32xbf16>
    %dot_general3A_183 = arith.constant dense<0.000000e+00> : vector<200x32xf32>
    %dot_general3A_184 = tpu.matmul %convert_element_type3A_178, %convert_element_type3A_182, %dot_general3A_183 {dimension_numbers = #tpu.dot_dimension_numbers<[1], [0], [0], [1], [0, 0, 1, 1], [], []>, transpose_lhs_hint = false} : vector<200x128xbf16>, vector<128x32xbf16>, vector<200x32xf32> -> vector<200x32xf32>
    %add3A_185 = arith.addf %add3A_168, %dot_general3A_184 : vector<200x32xf32>
    %get3A_186 = arith.constant 0 : index
    %get3A_187 = arith.constant 11 : index
    %get3A_188 = arith.constant 0 : index
    %get3A_189 = vector.load %arg2[%get3A_186, %get3A_187, %get3A_188] : memref<200x16x128xf32, #tpu.memory_space<vmem>>, vector<200x1x128xf32>
    %get3A_190 = vector.shape_cast %get3A_189 : vector<200x1x128xf32> to vector<200x128xf32>
    %add3A_191 = arith.addf %get3A_1, %get3A_190 : vector<200x128xf32>
    %max3A_192 = arith.constant 0.000000e+00 : f32
    %max3A_193 = vector.broadcast %max3A_192 : f32 to vector<200x128xf32>
    %max3A_194 = arith.maximumf %add3A_191, %max3A_193 : vector<200x128xf32>
    %convert_element_type3A_195 = arith.truncf %max3A_194 : vector<200x128xf32> to vector<200x128xbf16>
    %get3A_196 = arith.constant 1408 : index
    %get3A_197 = arith.constant 0 : index
    %get3A_198 = vector.load %arg4[%get3A_196, %get3A_197] : memref<2048x32xf32, #tpu.memory_space<vmem>>, vector<128x32xf32>
    %convert_element_type3A_199 = arith.truncf %get3A_198 : vector<128x32xf32> to vector<128x32xbf16>
    %dot_general3A_200 = arith.constant dense<0.000000e+00> : vector<200x32xf32>
    %dot_general3A_201 = tpu.matmul %convert_element_type3A_195, %convert_element_type3A_199, %dot_general3A_200 {dimension_numbers = #tpu.dot_dimension_numbers<[1], [0], [0], [1], [0, 0, 1, 1], [], []>, transpose_lhs_hint = false} : vector<200x128xbf16>, vector<128x32xbf16>, vector<200x32xf32> -> vector<200x32xf32>
    %add3A_202 = arith.addf %add3A_185, %dot_general3A_201 : vector<200x32xf32>
    %get3A_203 = arith.constant 0 : index
    %get3A_204 = arith.constant 12 : index
    %get3A_205 = arith.constant 0 : index
    %get3A_206 = vector.load %arg2[%get3A_203, %get3A_204, %get3A_205] : memref<200x16x128xf32, #tpu.memory_space<vmem>>, vector<200x1x128xf32>
    %get3A_207 = vector.shape_cast %get3A_206 : vector<200x1x128xf32> to vector<200x128xf32>
    %add3A_208 = arith.addf %get3A_1, %get3A_207 : vector<200x128xf32>
    %max3A_209 = arith.constant 0.000000e+00 : f32
    %max3A_210 = vector.broadcast %max3A_209 : f32 to vector<200x128xf32>
    %max3A_211 = arith.maximumf %add3A_208, %max3A_210 : vector<200x128xf32>
    %convert_element_type3A_212 = arith.truncf %max3A_211 : vector<200x128xf32> to vector<200x128xbf16>
    %get3A_213 = arith.constant 1536 : index
    %get3A_214 = arith.constant 0 : index
    %get3A_215 = vector.load %arg4[%get3A_213, %get3A_214] : memref<2048x32xf32, #tpu.memory_space<vmem>>, vector<128x32xf32>
    %convert_element_type3A_216 = arith.truncf %get3A_215 : vector<128x32xf32> to vector<128x32xbf16>
    %dot_general3A_217 = arith.constant dense<0.000000e+00> : vector<200x32xf32>
    %dot_general3A_218 = tpu.matmul %convert_element_type3A_212, %convert_element_type3A_216, %dot_general3A_217 {dimension_numbers = #tpu.dot_dimension_numbers<[1], [0], [0], [1], [0, 0, 1, 1], [], []>, transpose_lhs_hint = false} : vector<200x128xbf16>, vector<128x32xbf16>, vector<200x32xf32> -> vector<200x32xf32>
    %add3A_219 = arith.addf %add3A_202, %dot_general3A_218 : vector<200x32xf32>
    %get3A_220 = arith.constant 0 : index
    %get3A_221 = arith.constant 13 : index
    %get3A_222 = arith.constant 0 : index
    %get3A_223 = vector.load %arg2[%get3A_220, %get3A_221, %get3A_222] : memref<200x16x128xf32, #tpu.memory_space<vmem>>, vector<200x1x128xf32>
    %get3A_224 = vector.shape_cast %get3A_223 : vector<200x1x128xf32> to vector<200x128xf32>
    %add3A_225 = arith.addf %get3A_1, %get3A_224 : vector<200x128xf32>
    %max3A_226 = arith.constant 0.000000e+00 : f32
    %max3A_227 = vector.broadcast %max3A_226 : f32 to vector<200x128xf32>
    %max3A_228 = arith.maximumf %add3A_225, %max3A_227 : vector<200x128xf32>
    %convert_element_type3A_229 = arith.truncf %max3A_228 : vector<200x128xf32> to vector<200x128xbf16>
    %get3A_230 = arith.constant 1664 : index
    %get3A_231 = arith.constant 0 : index
    %get3A_232 = vector.load %arg4[%get3A_230, %get3A_231] : memref<2048x32xf32, #tpu.memory_space<vmem>>, vector<128x32xf32>
    %convert_element_type3A_233 = arith.truncf %get3A_232 : vector<128x32xf32> to vector<128x32xbf16>
    %dot_general3A_234 = arith.constant dense<0.000000e+00> : vector<200x32xf32>
    %dot_general3A_235 = tpu.matmul %convert_element_type3A_229, %convert_element_type3A_233, %dot_general3A_234 {dimension_numbers = #tpu.dot_dimension_numbers<[1], [0], [0], [1], [0, 0, 1, 1], [], []>, transpose_lhs_hint = false} : vector<200x128xbf16>, vector<128x32xbf16>, vector<200x32xf32> -> vector<200x32xf32>
    %add3A_236 = arith.addf %add3A_219, %dot_general3A_235 : vector<200x32xf32>
    %get3A_237 = arith.constant 0 : index
    %get3A_238 = arith.constant 14 : index
    %get3A_239 = arith.constant 0 : index
    %get3A_240 = vector.load %arg2[%get3A_237, %get3A_238, %get3A_239] : memref<200x16x128xf32, #tpu.memory_space<vmem>>, vector<200x1x128xf32>
    %get3A_241 = vector.shape_cast %get3A_240 : vector<200x1x128xf32> to vector<200x128xf32>
    %add3A_242 = arith.addf %get3A_1, %get3A_241 : vector<200x128xf32>
    %max3A_243 = arith.constant 0.000000e+00 : f32
    %max3A_244 = vector.broadcast %max3A_243 : f32 to vector<200x128xf32>
    %max3A_245 = arith.maximumf %add3A_242, %max3A_244 : vector<200x128xf32>
    %convert_element_type3A_246 = arith.truncf %max3A_245 : vector<200x128xf32> to vector<200x128xbf16>
    %get3A_247 = arith.constant 1792 : index
    %get3A_248 = arith.constant 0 : index
    %get3A_249 = vector.load %arg4[%get3A_247, %get3A_248] : memref<2048x32xf32, #tpu.memory_space<vmem>>, vector<128x32xf32>
    %convert_element_type3A_250 = arith.truncf %get3A_249 : vector<128x32xf32> to vector<128x32xbf16>
    %dot_general3A_251 = arith.constant dense<0.000000e+00> : vector<200x32xf32>
    %dot_general3A_252 = tpu.matmul %convert_element_type3A_246, %convert_element_type3A_250, %dot_general3A_251 {dimension_numbers = #tpu.dot_dimension_numbers<[1], [0], [0], [1], [0, 0, 1, 1], [], []>, transpose_lhs_hint = false} : vector<200x128xbf16>, vector<128x32xbf16>, vector<200x32xf32> -> vector<200x32xf32>
    %add3A_253 = arith.addf %add3A_236, %dot_general3A_252 : vector<200x32xf32>
    %get3A_254 = arith.constant 0 : index
    %get3A_255 = arith.constant 15 : index
    %get3A_256 = arith.constant 0 : index
    %get3A_257 = vector.load %arg2[%get3A_254, %get3A_255, %get3A_256] : memref<200x16x128xf32, #tpu.memory_space<vmem>>, vector<200x1x128xf32>
    %get3A_258 = vector.shape_cast %get3A_257 : vector<200x1x128xf32> to vector<200x128xf32>
    %add3A_259 = arith.addf %get3A_1, %get3A_258 : vector<200x128xf32>
    %max3A_260 = arith.constant 0.000000e+00 : f32
    %max3A_261 = vector.broadcast %max3A_260 : f32 to vector<200x128xf32>
    %max3A_262 = arith.maximumf %add3A_259, %max3A_261 : vector<200x128xf32>
    %convert_element_type3A_263 = arith.truncf %max3A_262 : vector<200x128xf32> to vector<200x128xbf16>
    %get3A_264 = arith.constant 1920 : index
    %get3A_265 = arith.constant 0 : index
    %get3A_266 = vector.load %arg4[%get3A_264, %get3A_265] : memref<2048x32xf32, #tpu.memory_space<vmem>>, vector<128x32xf32>
    %convert_element_type3A_267 = arith.truncf %get3A_266 : vector<128x32xf32> to vector<128x32xbf16>
    %dot_general3A_268 = arith.constant dense<0.000000e+00> : vector<200x32xf32>
    %dot_general3A_269 = tpu.matmul %convert_element_type3A_263, %convert_element_type3A_267, %dot_general3A_268 {dimension_numbers = #tpu.dot_dimension_numbers<[1], [0], [0], [1], [0, 0, 1, 1], [], []>, transpose_lhs_hint = false} : vector<200x128xbf16>, vector<128x32xbf16>, vector<200x32xf32> -> vector<200x32xf32>
    %add3A_270 = arith.addf %add3A_253, %dot_general3A_269 : vector<200x32xf32>
    %get3A_271 = arith.constant 0 : index
    %get3A_272 = memref.load %arg5[%get3A_271] : memref<1xf32, #tpu.memory_space<smem>>
    %add3A_273 = vector.broadcast %get3A_272 : f32 to vector<200x32xf32>
    %add3A_274 = arith.addf %add3A_270, %add3A_273 : vector<200x32xf32>
    %logistic3A = arith.negf %add3A_274 : vector<200x32xf32>
    %logistic3A_275 = math.exp %logistic3A : vector<200x32xf32>
    %logistic3A_276 = arith.constant 1.000000e+00 : f32
    %logistic3A_277 = vector.broadcast %logistic3A_276 : f32 to vector<200x32xf32>
    %logistic3A_278 = arith.addf %logistic3A_277, %logistic3A_275 : vector<200x32xf32>
    %logistic3A_279 = arith.divf %logistic3A_277, %logistic3A_278 : vector<200x32xf32>
    %iota3A = tpu.iota {dimensions = array<i32: 1>} : vector<200x32xi32>
    %get3A_280 = arith.constant 0 : index
    %get3A_281 = arith.constant 0 : index
    %get3A_282 = vector.load %arg3[%get3A_280, %get3A_281] : memref<200x32xi32, #tpu.memory_space<vmem>>, vector<200x32xi32>
    %reduce_max3A = arith.constant dense<0xFF800000> : vector<200xf32>
    %reduce_max3A_283 = vector.multi_reduction <maximumf>, %logistic3A_279, %reduce_max3A [1] : vector<200x32xf32> to vector<200xf32>
    %broadcast_in_dim3A_284 = vector.shape_cast %reduce_max3A_283 : vector<200xf32> to vector<200x1xf32>
    %eq3A = vector.broadcast %broadcast_in_dim3A_284 : vector<200x1xf32> to vector<200x32xf32>
    %eq3A_285 = arith.cmpf oeq, %logistic3A_279, %eq3A : vector<200x32xf32>
    %jit3A = arith.constant 32 : i32
    %broadcast_in_dim3A_286 = vector.broadcast %jit3A : i32 to vector<200x32xi32>
    %select_n3A = arith.select %eq3A_285, %iota3A, %broadcast_in_dim3A_286 : vector<200x32xi1>, vector<200x32xi32>
    %reduce_min3A = arith.constant dense<2147483647> : vector<200xi32>
    %reduce_min3A_287 = vector.multi_reduction <minsi>, %select_n3A, %reduce_min3A [1] : vector<200x32xi32> to vector<200xi32>
    %broadcast_in_dim3A_288 = vector.shape_cast %reduce_min3A_287 : vector<200xi32> to vector<200x1xi32>
    %eq3A_289 = vector.broadcast %broadcast_in_dim3A_288 : vector<200x1xi32> to vector<200x32xi32>
    %eq3A_290 = arith.cmpi eq, %iota3A, %eq3A_289 : vector<200x32xi32>
    %jit3A_291 = arith.constant 0 : i32
    %broadcast_in_dim3A_292 = vector.broadcast %jit3A_291 : i32 to vector<200x32xi32>
    %select_n3A_293 = arith.select %eq3A_290, %get3A_282, %broadcast_in_dim3A_292 : vector<200x32xi1>, vector<200x32xi32>
    %reduce_sum3A = arith.constant dense<0> : vector<200xi32>
    %reduce_sum3A_294 = vector.multi_reduction <add>, %select_n3A_293, %reduce_sum3A [1] : vector<200x32xi32> to vector<200xi32>
    %broadcast_in_dim3A_295 = vector.shape_cast %reduce_sum3A_294 : vector<200xi32> to vector<200x1xi32>
    %jit3A_296 = arith.constant 0xFF800000 : f32
    %broadcast_in_dim3A_297 = vector.broadcast %jit3A_296 : f32 to vector<200x32xf32>
    %select_n3A_298 = arith.select %eq3A_290, %broadcast_in_dim3A_297, %logistic3A_279 : vector<200x32xi1>, vector<200x32xf32>
    %reduce_max3A_299 = arith.constant dense<0xFF800000> : vector<200xf32>
    %reduce_max3A_300 = vector.multi_reduction <maximumf>, %select_n3A_298, %reduce_max3A_299 [1] : vector<200x32xf32> to vector<200xf32>
    %broadcast_in_dim3A_301 = vector.shape_cast %reduce_max3A_300 : vector<200xf32> to vector<200x1xf32>
    %eq3A_302 = vector.broadcast %broadcast_in_dim3A_301 : vector<200x1xf32> to vector<200x32xf32>
    %eq3A_303 = arith.cmpf oeq, %select_n3A_298, %eq3A_302 : vector<200x32xf32>
    %jit3A_304 = arith.constant 32 : i32
    %broadcast_in_dim3A_305 = vector.broadcast %jit3A_304 : i32 to vector<200x32xi32>
    %select_n3A_306 = arith.select %eq3A_303, %iota3A, %broadcast_in_dim3A_305 : vector<200x32xi1>, vector<200x32xi32>
    %reduce_min3A_307 = arith.constant dense<2147483647> : vector<200xi32>
    %reduce_min3A_308 = vector.multi_reduction <minsi>, %select_n3A_306, %reduce_min3A_307 [1] : vector<200x32xi32> to vector<200xi32>
    %broadcast_in_dim3A_309 = vector.shape_cast %reduce_min3A_308 : vector<200xi32> to vector<200x1xi32>
    %eq3A_310 = vector.broadcast %broadcast_in_dim3A_309 : vector<200x1xi32> to vector<200x32xi32>
    %eq3A_311 = arith.cmpi eq, %iota3A, %eq3A_310 : vector<200x32xi32>
    %jit3A_312 = arith.constant 0 : i32
    %broadcast_in_dim3A_313 = vector.broadcast %jit3A_312 : i32 to vector<200x32xi32>
    %select_n3A_314 = arith.select %eq3A_311, %get3A_282, %broadcast_in_dim3A_313 : vector<200x32xi1>, vector<200x32xi32>
    %reduce_sum3A_315 = arith.constant dense<0> : vector<200xi32>
    %reduce_sum3A_316 = vector.multi_reduction <add>, %select_n3A_314, %reduce_sum3A_315 [1] : vector<200x32xi32> to vector<200xi32>
    %broadcast_in_dim3A_317 = vector.shape_cast %reduce_sum3A_316 : vector<200xi32> to vector<200x1xi32>
    %jit3A_318 = arith.constant 0xFF800000 : f32
    %broadcast_in_dim3A_319 = vector.broadcast %jit3A_318 : f32 to vector<200x32xf32>
    %select_n3A_320 = arith.select %eq3A_311, %broadcast_in_dim3A_319, %select_n3A_298 : vector<200x32xi1>, vector<200x32xf32>
    %reduce_max3A_321 = arith.constant dense<0xFF800000> : vector<200xf32>
    %reduce_max3A_322 = vector.multi_reduction <maximumf>, %select_n3A_320, %reduce_max3A_321 [1] : vector<200x32xf32> to vector<200xf32>
    %broadcast_in_dim3A_323 = vector.shape_cast %reduce_max3A_322 : vector<200xf32> to vector<200x1xf32>
    %eq3A_324 = vector.broadcast %broadcast_in_dim3A_323 : vector<200x1xf32> to vector<200x32xf32>
    %eq3A_325 = arith.cmpf oeq, %select_n3A_320, %eq3A_324 : vector<200x32xf32>
    %jit3A_326 = arith.constant 32 : i32
    %broadcast_in_dim3A_327 = vector.broadcast %jit3A_326 : i32 to vector<200x32xi32>
    %select_n3A_328 = arith.select %eq3A_325, %iota3A, %broadcast_in_dim3A_327 : vector<200x32xi1>, vector<200x32xi32>
    %reduce_min3A_329 = arith.constant dense<2147483647> : vector<200xi32>
    %reduce_min3A_330 = vector.multi_reduction <minsi>, %select_n3A_328, %reduce_min3A_329 [1] : vector<200x32xi32> to vector<200xi32>
    %broadcast_in_dim3A_331 = vector.shape_cast %reduce_min3A_330 : vector<200xi32> to vector<200x1xi32>
    %eq3A_332 = vector.broadcast %broadcast_in_dim3A_331 : vector<200x1xi32> to vector<200x32xi32>
    %eq3A_333 = arith.cmpi eq, %iota3A, %eq3A_332 : vector<200x32xi32>
    %jit3A_334 = arith.constant 0 : i32
    %broadcast_in_dim3A_335 = vector.broadcast %jit3A_334 : i32 to vector<200x32xi32>
    %select_n3A_336 = arith.select %eq3A_333, %get3A_282, %broadcast_in_dim3A_335 : vector<200x32xi1>, vector<200x32xi32>
    %reduce_sum3A_337 = arith.constant dense<0> : vector<200xi32>
    %reduce_sum3A_338 = vector.multi_reduction <add>, %select_n3A_336, %reduce_sum3A_337 [1] : vector<200x32xi32> to vector<200xi32>
    %broadcast_in_dim3A_339 = vector.shape_cast %reduce_sum3A_338 : vector<200xi32> to vector<200x1xi32>
    %jit3A_340 = arith.constant 0xFF800000 : f32
    %broadcast_in_dim3A_341 = vector.broadcast %jit3A_340 : f32 to vector<200x32xf32>
    %select_n3A_342 = arith.select %eq3A_333, %broadcast_in_dim3A_341, %select_n3A_320 : vector<200x32xi1>, vector<200x32xf32>
    %reduce_max3A_343 = arith.constant dense<0xFF800000> : vector<200xf32>
    %reduce_max3A_344 = vector.multi_reduction <maximumf>, %select_n3A_342, %reduce_max3A_343 [1] : vector<200x32xf32> to vector<200xf32>
    %broadcast_in_dim3A_345 = vector.shape_cast %reduce_max3A_344 : vector<200xf32> to vector<200x1xf32>
    %eq3A_346 = vector.broadcast %broadcast_in_dim3A_345 : vector<200x1xf32> to vector<200x32xf32>
    %eq3A_347 = arith.cmpf oeq, %select_n3A_342, %eq3A_346 : vector<200x32xf32>
    %jit3A_348 = arith.constant 32 : i32
    %broadcast_in_dim3A_349 = vector.broadcast %jit3A_348 : i32 to vector<200x32xi32>
    %select_n3A_350 = arith.select %eq3A_347, %iota3A, %broadcast_in_dim3A_349 : vector<200x32xi1>, vector<200x32xi32>
    %reduce_min3A_351 = arith.constant dense<2147483647> : vector<200xi32>
    %reduce_min3A_352 = vector.multi_reduction <minsi>, %select_n3A_350, %reduce_min3A_351 [1] : vector<200x32xi32> to vector<200xi32>
    %broadcast_in_dim3A_353 = vector.shape_cast %reduce_min3A_352 : vector<200xi32> to vector<200x1xi32>
    %eq3A_354 = vector.broadcast %broadcast_in_dim3A_353 : vector<200x1xi32> to vector<200x32xi32>
    %eq3A_355 = arith.cmpi eq, %iota3A, %eq3A_354 : vector<200x32xi32>
    %jit3A_356 = arith.constant 0 : i32
    %broadcast_in_dim3A_357 = vector.broadcast %jit3A_356 : i32 to vector<200x32xi32>
    %select_n3A_358 = arith.select %eq3A_355, %get3A_282, %broadcast_in_dim3A_357 : vector<200x32xi1>, vector<200x32xi32>
    %reduce_sum3A_359 = arith.constant dense<0> : vector<200xi32>
    %reduce_sum3A_360 = vector.multi_reduction <add>, %select_n3A_358, %reduce_sum3A_359 [1] : vector<200x32xi32> to vector<200xi32>
    %broadcast_in_dim3A_361 = vector.shape_cast %reduce_sum3A_360 : vector<200xi32> to vector<200x1xi32>
    %concatenate3A = tpu.concatenate %broadcast_in_dim3A_295, %broadcast_in_dim3A_317, %broadcast_in_dim3A_339, %broadcast_in_dim3A_361 in 1 : vector<200x1xi32>, vector<200x1xi32>, vector<200x1xi32>, vector<200x1xi32> -> vector<200x4xi32>
    %swap3A = arith.constant 0 : index
    %swap3A_362 = arith.constant 0 : index
    %swap3A_363 = vector.load %arg6[%swap3A, %swap3A_362] : memref<200x4xi32, #tpu.memory_space<vmem>>, vector<200x4xi32>
    tpu.vector_store %arg6[%swap3A, %swap3A_362], %concatenate3A {strides = array<i32>} : memref<200x4xi32, #tpu.memory_space<vmem>>, vector<200x4xi32>,
    %concatenate3A_364 = tpu.concatenate %broadcast_in_dim3A_284, %broadcast_in_dim3A_301, %broadcast_in_dim3A_323, %broadcast_in_dim3A_345 in 1 : vector<200x1xf32>, vector<200x1xf32>, vector<200x1xf32>, vector<200x1xf32> -> vector<200x4xf32>
    %swap3A_365 = arith.constant 0 : index
    %swap3A_366 = arith.constant 0 : index
    %swap3A_367 = vector.load %arg7[%swap3A_365, %swap3A_366] : memref<200x4xf32, #tpu.memory_space<vmem>>, vector<200x4xf32>
    tpu.vector_store %arg7[%swap3A_365, %swap3A_366], %concatenate3A_364 {strides = array<i32>} : memref<200x4xf32, #tpu.memory_space<vmem>>, vector<200x4xf32>,
    return
  }
  func.func @transform_0(%arg0: i32) -> (i32, i32) {
    %c0_i32 = arith.constant 0 : i32
    %c0_i32_0 = arith.constant 0 : i32
    return %arg0, %c0_i32 : i32, i32
  }
  func.func @transform_1(%arg0: i32) -> (i32, i32, i32) {
    %c0_i32 = arith.constant 0 : i32
    %c0_i32_0 = arith.constant 0 : i32
    %c0_i32_1 = arith.constant 0 : i32
    return %arg0, %c0_i32, %c0_i32_0 : i32, i32, i32
  }
  func.func @transform_2(%arg0: i32) -> (i32, i32) {
    %c0_i32 = arith.constant 0 : i32
    %c0_i32_0 = arith.constant 0 : i32
    return %arg0, %c0_i32 : i32, i32
  }
  func.func @transform_3(%arg0: i32) -> (i32, i32) {
    %c0_i32 = arith.constant 0 : i32
    %c0_i32_0 = arith.constant 0 : i32
    %c0_i32_1 = arith.constant 0 : i32
    return %c0_i32, %c0_i32_0 : i32, i32
  }
  func.func @transform_4(%arg0: i32) -> i32 {
    %c0_i32 = arith.constant 0 : i32
    %c0_i32_0 = arith.constant 0 : i32
    return %c0_i32 : i32
  }
  func.func @transform_5(%arg0: i32) -> (i32, i32) {
    %c0_i32 = arith.constant 0 : i32
    %c0_i32_0 = arith.constant 0 : i32
    return %arg0, %c0_i32 : i32, i32
  }
  func.func @transform_6(%arg0: i32) -> (i32, i32) {
    %c0_i32 = arith.constant 0 : i32
    %c0_i32_0 = arith.constant 0 : i32
    return %arg0, %c0_i32 : i32, i32
  }
}

</mosaic_0001>

<sc_bundles>
// kernel: kernel.10.cloned.1.call-start
scs
__scs_entry_jumppad:
0x0: {  	(pc) =	sbr.rel $0x88, $3  }
0x1: {  	(tag) =	ssettag $0x0;
	lr =	simm.s32 $0x1  }
0x2: {  	[smem:$0x3F9B] =	sst lr;
	_ =	strace $0xD0000000  }
0x3: {  	_ = 	snop  }
0x4: {  	_ = 	snop  }
0x5: {  	_ = 	snop  }
0x6: {  	_ = 	snop  }
0x7: {  	_ = 	snop  }
__scs_overlays_trampoline_lowered:
0x8: {  	[smem:$0x3FAA] =	sst s0  }
0x9: {  	[smem:$0x3FAB] =	sst s1  }
0xa: {  	[smem:$0x3FAC] =	sst s2  }
0xb: {  	[smem:$0x3FAD] =	sst s3  }
0xc: {  	[smem:$0x3FAE] =	sst s4  }
0xd: {  	[smem:$0x3FAF] =	sst s5  }
0xe: {  	[smem:$0x3FB0] =	sst s6  }
0xf: {  	[smem:$0x3FB1] =	sst s7  }
0x10: {  	[smem:$0x3FB2] =	sst s8  }
0x11: {  	[smem:$0x3FB3] =	sst s9;
	s0 =	simm.s32 @!p0 $0x0  }
0x12: {  	s1 =	sld [smem:$0x3F99];
	s0 =	simm.s32 @p0 $0x1  }
0x13: {  	[smem:$0x3FB4] =	sst s0;
	s0 =	simm.s32 @!p1 $0x0  }
0x14: {  	s2 =	sld [smem:$0x3F98];
	s0 =	simm.s32 @p1 $0x1  }
0x15: {  	[smem:$0x3FB5] =	sst s0;
	s0 =	simm.s32 @!p2 $0x0  }
0x16: {  	s3 =	sld [smem:$0x3FDB];
	s0 =	simm.s32 @p2 $0x1  }
0x17: {  	s4 =	simm.s32 $0x1BF5;
	[smem:$0x3FB7] =	sst s0  }
0x18: {  	s0 =	sld [smem:$0x3F9A];
	_ =	swait.ge [sflag:s4], $0x0  }
0x19: {  	s7 =	sld [smem:$0x3F9B]  }
0x1a: {  	s8 =	sadd.s32 $0xFFFFE003, lr  }
0x1b: {  	s9 =	sadd.s32 $0xFFFFFEF7, lr;
	s5 =	simm.s32 $0xFFFFFFFF;
	p2 =	slt.u32 s8, $0xFFFFF086  }
0x1c: {  	p1 =	slt.u32 s9, $0xF7A;
	s5 =	simm.s32 @!p2 $0x0  }
0x1d: {  	s5 =	simm.s32 @p1 $0x1;
	p0 =	seq.s32 s7, s2  }
0x1e: {  	s7 =	smul.u32 @!p0 $0xF7A, s2;
	p2 =	seq.s32 @!p0 s5, $0x0  }
0x1f: {  	s9 =	smul.u32 $0xF7A, s1;
	s8 =	simm.s32 @!p0 $0x1BF5;
	p2 =	por !p2, p0  }
0x20: {  	[sflag:s8] =	ssyncset.s32 @!p0 $0xFFFFF086;
	s6 =	sadd.s32 @!p0 s3, s7;
	s7 =	simm.s32 @!p0 $0x108  }
0x21: {  	s3 =	sadd.s32 s3, s9;
	s6 =	sadd.s32 @!p0 $0x88, s6;
	s7 =	simm.s32 @p2 $0x1082  }
0x22: {  	[simem:s7], [sflag:s8] =	dma.local @!p0 [hbm:s6], $0xF7A  }
0x23: {  	s9 =	sor.u32 $0xD0000000, s2;
	s6 =	simm.s32 $0x108;
	_ =	swait.ge @!p0 [sflag:s8], $0x0  }
0x24: {  	s3 =	sadd.s32 $0x88, s3;
	s6 =	simm.s32 @!p1 $0x1082;
	[sflag:s4] =	ssyncset.s32 $0xFFFFF086  }
0x25: {  	[simem:s6], [sflag:s4] =	dma.local [hbm:s3], $0xF7A  }
0x26: {  	[smem:$0x3F9B] =	sst s1;
	(tag) =	ssettag s2;
	_ =	strace s9  }
0x27: {  	s1 =	sld [smem:$0x3FAB]  }
0x28: {  	s2 =	sld [smem:$0x3FAC]  }
0x29: {  	s4 =	sld [smem:$0x3FAE]  }
0x2a: {  	p0 =	seq.s32 s5, $0x0;
	s5 =	sld [smem:$0x3FAF]  }
0x2b: {  	s6 =	sld [smem:$0x3FB0]  }
0x2c: {  	s7 =	sld [smem:$0x3FB1]  }
0x2d: {  	s3 =	simm.s32 $0x108;
	s8 =	sld [smem:$0x3FB2]  }
0x2e: {  	s3 =	simm.s32 @!p0 $0x1082;
	s9 =	sld [smem:$0x3FB3]  }
0x2f: {  	lr =	sadd.s32 s0, s3;
	s0 =	sld [smem:$0x3FAA]  }
0x30: {  	s3 =	sld [smem:$0x3FAD]  }
0x31: {  	[smem:$0x3FB6] =	sst s10  }
0x32: {  	s10 =	sld [smem:$0x3FB4];
	_ =	sdelay $0x3  }
0x33: {  	p0 =	seq.s32 s10, $0x1;
	s10 =	sld [smem:$0x3FB6];
	_ =	sdelay $0x3  }
0x34: {  	[smem:$0x3FB6] =	sst s10  }
0x35: {  	s10 =	sld [smem:$0x3FB5];
	_ =	sdelay $0x3  }
0x36: {  	p1 =	seq.s32 s10, $0x1;
	s10 =	sld [smem:$0x3FB6];
	_ =	sdelay $0x3  }
0x37: {  	[smem:$0x3FB6] =	sst s10  }
0x38: {  	s10 =	sld [smem:$0x3FB7]  }
0x39: {  	_ = 	snop;
	(pc) =	sbr.ind lr, $3  }
0x3a: {  	_ = 	snop  }
0x3b: {  	_ = 	snop  }
0x3c: {  	p2 =	seq.s32 s10, $0x1;
	s10 =	sld [smem:$0x3FB6]  }
0x3d: {  	_ =	shalt  }
0x3e: {  	_ =	shalt  }
0x3f: {  	_ =	shalt  }
0x40: {  	_ =	shalt  }
0x41: {  	_ =	shalt  }
0x42: {  	_ =	shalt  }
0x43: {  	_ =	shalt  }
0x44: {  	_ =	shalt  }
0x45: {  	_ =	shalt  }
0x46: {  	_ =	shalt  }
0x47: {  	_ =	shalt  }
0x48: {  	_ =	shalt  }
0x49: {  	_ =	shalt  }
0x4a: {  	_ =	shalt  }
0x4b: {  	_ =	shalt  }
0x4c: {  	_ =	shalt  }
0x4d: {  	_ =	shalt  }
0x4e: {  	_ =	shalt  }
0x4f: {  	_ =	shalt  }
0x50: {  	_ =	shalt  }
0x51: {  	_ =	shalt  }
0x52: {  	_ =	shalt  }
0x53: {  	_ =	shalt  }
0x54: {  	_ =	shalt  }
0x55: {  	_ =	shalt  }
0x56: {  	_ =	shalt  }
0x57: {  	_ =	shalt  }
0x58: {  	_ =	shalt  }
0x59: {  	_ =	shalt  }
0x5a: {  	_ =	shalt  }
0x5b: {  	_ =	shalt  }
0x5c: {  	_ =	shalt  }
0x5d: {  	_ =	shalt  }
0x5e: {  	_ =	shalt  }
0x5f: {  	_ =	shalt  }
0x60: {  	_ =	shalt  }
0x61: {  	_ =	shalt  }
0x62: {  	_ =	shalt  }
0x63: {  	_ =	shalt  }
0x64: {  	_ =	shalt  }
0x65: {  	_ =	shalt  }
0x66: {  	_ =	shalt  }
0x67: {  	_ =	shalt  }
0x68: {  	_ =	shalt  }
0x69: {  	_ =	shalt  }
0x6a: {  	_ =	shalt  }
0x6b: {  	_ =	shalt  }
0x6c: {  	_ =	shalt  }
0x6d: {  	_ =	shalt  }
0x6e: {  	_ =	shalt  }
0x6f: {  	_ =	shalt  }
0x70: {  	_ =	shalt  }
0x71: {  	_ =	shalt  }
0x72: {  	_ =	shalt  }
0x73: {  	_ =	shalt  }
0x74: {  	_ =	shalt  }
0x75: {  	_ =	shalt  }
0x76: {  	_ =	shalt  }
0x77: {  	_ =	shalt  }
0x78: {  	_ =	shalt  }
0x79: {  	_ =	shalt  }
0x7a: {  	_ =	shalt  }
0x7b: {  	_ =	shalt  }
0x7c: {  	_ =	shalt  }
0x7d: {  	_ =	shalt  }
0x7e: {  	_ =	shalt  }
0x7f: {  	_ =	shalt  }
0x80: {  	_ =	shalt  }
0x81: {  	_ =	shalt  }
0x82: {  	_ =	shalt  }
0x83: {  	_ =	shalt  }
0x84: {  	_ =	shalt  }
0x85: {  	_ =	shalt  }
0x86: {  	_ =	shalt  }
0x87: {  	_ =	shalt  }
.Lfunc_end0:
.L_simem_size_0:
called_computation.1_lowered:
.L_overlay_start_0:
0x88: {  	s2 =	sld [smem:$0x3FD9]  }
0x89: {  	s3 =	sld [smem:$0x3FFE];
	_ =	sdelay $0x1  }
0x8a: {  	s1 =	srdreg.scid  }
0x8b: {  	s0 =	sand.u32 $0x1, s1  }
0x8c: {  	s17 =	sshll.u32 s0, $0xA;
	s2 =	sadd.s32 s3, s2  }
0x8d: {  	s2 =	sadd.s32 s2, s17  }
0x8e: {  	[smem:$0x3FC2] =	sst s2  }
0x8f: {  	_ = 	snop  }
0x90: {  	(tm) =	ssettm $0x1  }
0x91: {  	s18 =	sld [smem:$0x3FFB];
	_ =	sdelay $0x3  }
0x92: {  	_ =	strace s18  }
0x93: {  	s2 =	sld [smem:$0x3FFC];
	_ =	sdelay $0x3  }
0x94: {  	_ =	strace s2  }
0x95: {  	s2 =	sld [smem:$0x3FFD];
	_ =	sdelay $0x3  }
0x96: {  	_ =	strace s2  }
0x97: {  	_ =	strace $0x8FFFFFFF  }
0x98: {  	s19 =	sld [smem:$0x3FDB];
	_ =	sdelay $0x1  }
0x99: {  	s20 =	simm.s32 $_scs_section_size  }
0x9a: {  	s4 =	simm.s32 $_size__tile_overlayer_lowered;
	s5 =	simm.s32 $_tile_overlayer_lowered  }
0x9b: {  	s6 =	simm.s32 $0x1BFF;
	s21 =	sshll.u32 s5, $0x1;
	s3 =	sadd.s32 s20, s19  }
0x9c: {  	s22 =	simm.s32 $0x0;
	s4 =	sshll.u32 s4, $0x1;
	s5 =	sadd.s32 s21, s3  }
0x9d: {  	[timem:s22], [sflag:s6] =	dma.local [hbm:s5], s4  }
0x9e: {  	_ =	swait.ge [sflag:s6], s4  }
0x9f: {  	s4 =	ssub.s32 $0x0, s4;
	[sflag:s6] =	ssyncset.done $0x0  }
0xa0: {  	[sflag:s6] =	ssyncadd.s32 s4;
	_ =	sdelay $0x1  }
0xa1: {  	s23 =	simm.s32 $0x1B8B  }
0xa2: {  	_ =	swait.ge [sflag:s23], $0x1  }
0xa3: {  	[sflag:s23] =	ssyncset.done $0x0  }
0xa4: {  	[sflag:s23] =	ssyncadd.s32 $0xFFFFFFFF  }
0xa5: {  	s4 =	sld [smem:$0x0]  }
0xa6: {  	s5 =	sand.u32 $0xFFFFFFFE, s1  }
0xa7: {  	p0 =	sne.s32 s1, s5  }
0xa8: {  	s5 =	sshll.u32 @p0 s5, $0xE  }
0xa9: {  	s5 =	sadd.s32 @p0 $0x11B8D, s5;
	s6 =	sshll.u32 @p0 s4, $0x11  }
0xaa: {  	s5 =	sor.u32 @p0 s6, s5  }
0xab: {  	[sflag:s5] =	ssyncadd.remote.s32 @p0 $0x1;
	_ =	sdelay $0x1  }
0xac: {  	s5 =	simm.s32 @p0 $0x1B8D  }
0xad: {  	_ =	swait.eq @p0 [sflag:s5], $0x1  }
0xae: {  	[sflag:s5] =	ssyncadd.s32 @p0 $0xFFFFFFFF  }
0xaf: {  	s6 =	sshll.u32 @!p0 s1, $0xE  }
0xb0: {  	s6 =	sor.u32 @!p0 $0x4000, s6;
	s5 =	simm.s32 @!p0 $0x1B8D  }
0xb1: {  	s4 =	sshll.u32 @!p0 s4, $0x11;
	s6 =	sadd.s32 @!p0 $0x11B8D, s6;
	_ =	swait.eq @!p0 [sflag:s5], $0x1  }
0xb2: {  	s4 =	sor.u32 @!p0 s4, s6;
	[sflag:s5] =	ssyncadd.s32 @!p0 $0xFFFFFFFF  }
0xb3: {  	s25 =	simm.s32 $0x1B8E;
	s24 =	sld [smem:$0x3FFE];
	[sflag:s4] =	ssyncadd.remote.s32 @!p0 $0x1  }
0xb4: {  	s26 =	simm.s32 $execute0_lowered;
	[smem:$0x3FD2] =	sst s25  }
0xb5: {  	s5 =	sshll.u32 s26, $0x1;
	_ =	strace $0x80000049;
	[dreg:$0x1] =	wrdreg $0xFFFFFFFF  }
0xb6: {  	s28 =	simm.s32 $_size_execute0_lowered;
	s3 =	sadd.s32 s3, s5;
	[dreg:$0x0] =	wrdreg $0x0  }
0xb7: {  	s5 =	sshll.u32 s28, $0x1;
	[dreg:$0x2] =	wrdreg s3  }
0xb8: {  	[dreg:$0x3] =	wrdreg s5  }
0xb9: {  	[dreg:$0x4] =	wrdreg $0xC0  }
0xba: {  	_ =	task [dreg:s22], $0x5FFFF  }
0xbb: {  	[dreg:$0x1] =	wrdreg $0xFFFFFFFF  }
0xbc: {  	[dreg:$0x0] =	wrdreg $0x60  }
0xbd: {  	[dreg:$0x2] =	wrdreg s24  }
0xbe: {  	[dreg:$0x3] =	wrdreg $0xA  }
0xbf: {  	_ =	task.clear_ibuf [dreg:s22], $0x4FFFF;
	_ =	strace $0x90000049  }
0xc0: {  	s29 =	simm.s32 $0xA;
	_ =	strace $0x8000004B  }
0xc1: {  	_ =	swait.ge [sflag:s29], $0x1  }
0xc2: {  	[sflag:s29] =	ssyncadd.s32 $0xFFFFFFFF  }
0xc3: {  	_ =	strace $0x9000004B  }
0xc4: {  	_ =	sfence  }
0xc5: {  	s30 =	sld [smem:$0x0];
	_ =	sdelay $0x2  }
0xc6: {  	s31 =	sshll.u32 s1, $0xD;
	s1 =	sshrl.u32 s1, $0x2  }
0xc7: {  	s4 =	sand.u32 $0x4000, s31;
	s1 =	sadd.s32 s1, s30  }
0xc8: {  	s0 =	sor.u32 s4, s0;
	s1 =	sshll.u32 s1, $0x11  }
0xc9: {  	s0 =	sor.u32 s1, s0  }
0xca: {  	s0 =	sadd.s32 $0x8F2B, s0  }
0xcb: {  	[sflag:s0] =	ssyncadd.remote.s32 $0x1  }
0xcc: {  	_ =	sfence.sel $0xFFFF  }
0xcd: {  	[dreg:$0x0] =	wrdreg $0xFFFFFFFF;
	(pc) =	sbr.abs _section_cstart, $3  }
0xce: {  	[dreg:$0x1] =	wrdreg $0xFFFFFFFF  }
0xcf: {  	_ =	task.clear_ibuf [dreg:s22], $0x2FFFF;
	_ =	strace $0x9FFFFFFF  }
0xd0: {  	(tm) =	ssettm $0x7FFFFFFF  }
0xd1: {  	_ =	shalt  }
tec
execute0_lowered:
.L_overlay_start_1:
0x0: {  	(tag) =	ssettag $0x1  }
0x1: {  	s1 =	srdreg.scid;
	s0 =	stileid.u32  }
0x2: {  	s4 =	rddreg [dreg:$0x0];
	s2 =	simm.s32 $0x0;
	s9 =	smul.u32 $0x50, s0  }
0x3: {  	s5 =	sand.u32 $0x1, s1;
	s1 =	rddreg [dreg:$0x1];
	s30 =	smul.u32 $0x14000, s0  }
0x4: {  	s28 =	sshll.u32 s0, $0x1;
	[smem:$0x7FF] =	sst s2;
	s11 =	smul.u32 $0x28, s5  }
0x5: {  	s12 =	sadd.s32 $0x157E00, s4;
	s3 =	sor.u32 s5, s28;
	s31 =	smul.u32 $0xA000, s5  }
0x6: {  	_ =	strace $0x8000004A;
	s8 =	ssub.s32 $0x2, s5;
	s6 =	smul.u32 $0x280, s3  }
0x7: {  	s7 =	smul.u32 $0x28, s3;
	s3 =	sadd.s32 $0x1C00, s4;
	s10 =	sshrl.u32 s8, $0x1  }
0x8: {  	s8 =	ssub.s32 s8, s10;
	s9 =	sadd.s32 s11, s9;
	s10 =	simm.s32 $0x1400  }
0x9: {  	s11 =	simm.s32 $0x0;
	s6 =	sadd.s32 s6, s4;
	s29 =	ssub.s32 $0x4E2, s7  }
0xa: {  	s9 =	sshll.u32 s9, $0xA;
	s7 =	sadd.s32 s30, s12;
	s4 =	smin.u32 s29, $0x28  }
0xb: {  	s5 =	sadd.s32 $0x152E00, s6;
	s9 =	sadd.s32 s9, s12;
	s6 =	smax.u32 s8, $0x1  }
0xc: {  	s7 =	sadd.s32 s31, s7;
	s8 =	sadd.s32 $0x400, s9;
	s9 =	simm.s32 $0x3  }
.LBB2_1:
0xd: {  	[tilespmem:s2], [sflag:$0x3] =	stream.linear.gather [hbm4b:s5+s2], $0x1400, $0x38;
	[tilespmem:$0x5400] =	vst v63  }
0xe: {  	p1 =	sle.u32 s4, $0x0;
	_ =	swait.ge [sflag:s9], $0x1400  }
0xf: {  	p0 =	sle.u32 @!p1 s4, $0x1;
	[sflag:s9] =	ssyncset.done $0x0  }
0x10: {  	s12 =	simm.s32 $0x80;
	p0 =	por p0, p1;
	[sflag:s9] =	ssyncadd.s32 $0xFFFFEC00  }
0x11: {  	[tilespmem:s10], [sflag:$0x1] =	stream.indirect.gather [hbm4b:s3+s12], $0x40, s2, s12, $0xb8;
	[tilespmem:$0x5400] =	vst v63  }
0x12: {  	s15 =	simm.s32 @!p1 $0x1;
	s13 =	simm.s32 @!p0 $0x80;
	s14 =	simm.s32 @!p0 $0x3400  }
0x13: {  	[tilespmem:s14], [sflag:$0x2] =	stream.indirect.gather @!p0 [hbm4b:s3+s13], $0x40, s12, s13, $0xb8;
	[tilespmem:$0x5400] =	vst v63  }
0x14: {  	s16 =	simm.s32 $0x4;
	p0 =	sle.u32 s4, $0x1;
	_ =	swait.ge @!p1 [sflag:s15], $0x2000  }
0x15: {  	s12 =	simm.s32 @!p1 $0x0;
	s13 =	simm.s32 @!p1 $0x1400;
	[sflag:s15] =	ssyncset.done @!p1 $0x0  }
0x16: {  	s14 =	simm.s32 @!p1 $0x4;
	p2 =	sle.u32 @!p0 s4, $0x2;
	[sflag:s15] =	ssyncadd.s32 @!p1 $0xFFFFE000  }
0x17: {  	[hbm4b:s7+s12] =	stream.linear.scatter @!p1 [tilespmem:s13], [sflag:$0x4], $0x2000, $0x38;
	[tilespmem:$0x5400] =	vst v63  }
0x18: {  	s17 =	simm.s32 @!p0 $0x3400;
	p2 =	por p2, p0;
	_ =	swait.ge @!p1 [sflag:s14], $0x2000  }
0x19: {  	s15 =	simm.s32 @!p0 $0x2;
	s12 =	simm.s32 @!p2 $0x100;
	[sflag:s14] =	ssyncset.done @!p1 $0x0  }
0x1a: {  	s13 =	simm.s32 @!p2 $0x1400;
	[sflag:s14] =	ssyncadd.s32 @!p1 $0xFFFFE000;
	s14 =	simm.s32 @!p2 $0x80  }
0x1b: {  	[tilespmem:s13], [sflag:$0x1] =	stream.indirect.gather @!p2 [hbm4b:s3+s14], $0x40, s12, s14, $0xb8;
	[tilespmem:$0x5400] =	vst v63  }
0x1c: {  	s18 =	simm.s32 @!p0 $0x3;
	p1 =	sle.u32 s4, $0x2;
	_ =	swait.ge @!p0 [sflag:s15], $0x2000  }
0x1d: {  	s14 =	simm.s32 $0x2;
	s13 =	simm.s32 $0x180;
	[sflag:s15] =	ssyncset.done @!p0 $0x0  }
0x1e: {  	s12 =	simm.s32 @!p0 $0x0;
	[sflag:s15] =	ssyncadd.s32 @!p0 $0xFFFFE000;
	s15 =	sadd.s32 $0x800, s7  }
0x1f: {  	[hbm4b:s8+s12] =	stream.linear.scatter @!p0 [tilespmem:s17], [sflag:$0x3], $0x2000, $0x38;
	[tilespmem:$0x5400] =	vst v63  }
0x20: {  	s12 =	sadd.s32 $0x800, s8;
	s17 =	simm.s32 $0x3;
	_ =	swait.ge @!p0 [sflag:s18], $0x2000  }
.LBB2_2:
0x21: {  	p3 =	sge.u32 @!p1 s17, s4;
	[sflag:s18] =	ssyncset.done @!p0 $0x0;
	s19 =	smov.u32 s14  }
0x22: {  	s14 =	smov.u32 s16;
	s16 =	sadd.s32 $0x2, s16;
	s20 =	smov.u32 s13  }
0x23: {  	p2 =	sne.s32 s16, $0x28;
	p3 =	por p3, p1;
	[sflag:s18] =	ssyncadd.s32 @!p0 $0xFFFFE000  }
0x24: {  	s22 =	simm.s32 @!p1 $0x1;
	s18 =	simm.s32 @!p3 $0x80;
	s21 =	simm.s32 @!p3 $0x3400  }
0x25: {  	[tilespmem:s21], [sflag:$0x2] =	stream.indirect.gather @!p3 [hbm4b:s3+s18], $0x40, s13, s18, $0xb8;
	[tilespmem:$0x5400] =	vst v63  }
0x26: {  	s21 =	smov.u32 s12;
	_ =	swait.ge @!p1 [sflag:s22], $0x2000  }
0x27: {  	p0 =	sge.u32 s17, s4;
	[sflag:s22] =	ssyncset.done @!p1 $0x0  }
0x28: {  	s17 =	simm.s32 @!p1 $0x0;
	s19 =	sadd.s32 @!p0 $0x2, s19;
	s18 =	simm.s32 @!p1 $0x1400  }
0x29: {  	p3 =	sge.u32 @!p0 s19, s4;
	[sflag:s22] =	ssyncadd.s32 @!p1 $0xFFFFE000;
	s22 =	simm.s32 @!p1 $0x4  }
0x2a: {  	[hbm4b:s15+s17] =	stream.linear.scatter @!p1 [tilespmem:s18], [sflag:$0x4], $0x2000, $0x38;
	[tilespmem:$0x5400] =	vst v63  }
0x2b: {  	s13 =	sadd.s32 $0x100, s13;
	p3 =	por p3, p0;
	_ =	swait.ge @!p1 [sflag:s22], $0x2000  }
0x2c: {  	s17 =	sadd.s32 @!p3 $0x80, s20;
	s18 =	simm.s32 @!p3 $0x1400;
	[sflag:s22] =	ssyncset.done @!p1 $0x0  }
0x2d: {  	s19 =	simm.s32 @!p3 $0x80;
	s20 =	simm.s32 @!p0 $0x2;
	[sflag:s22] =	ssyncadd.s32 @!p1 $0xFFFFE000  }
0x2e: {  	[tilespmem:s18], [sflag:$0x1] =	stream.indirect.gather @!p3 [hbm4b:s3+s19], $0x40, s17, s19, $0xb8;
	[tilespmem:$0x5400] =	vst v63  }
.Ltmp0:
0x2f: {  	s12 =	sadd.s32 $0x800, s12;
	_ =	swait.ge @!p0 [sflag:s20], $0x2000;
	(pc) =	sbr.rel @p2 .LBB2_2-.Ltmp0, $4  }
0x30: {  	s17 =	simm.s32 @!p0 $0x0;
	s19 =	simm.s32 @!p0 $0x3400;
	[sflag:s20] =	ssyncset.done @!p0 $0x0  }
0x31: {  	s15 =	sadd.s32 $0x800, s15;
	s18 =	simm.s32 @!p0 $0x3;
	[sflag:s20] =	ssyncadd.s32 @!p0 $0xFFFFE000  }
0x32: {  	[hbm4b:s21+s17] =	stream.linear.scatter @!p0 [tilespmem:s19], [sflag:$0x3], $0x2000, $0x38;
	[tilespmem:$0x5400] =	vst v63  }
0x33: {  	p1 =	sge.u32 s14, s4;
	s17 =	sadd.s32 $0x1, s14;
	_ =	swait.ge @!p0 [sflag:s18], $0x2000  }
0x34: {  	p2 =	sge.u32 @!p1 s17, s4  }
0x35: {  	[sflag:s18] =	ssyncset.done @!p0 $0x0;
	s19 =	simm.s32 @!p1 $0x1;
	p2 =	por p2, p1  }
0x36: {  	[sflag:s18] =	ssyncadd.s32 @!p0 $0xFFFFE000;
	s16 =	simm.s32 @!p2 $0x80;
	s18 =	simm.s32 @!p2 $0x3400  }
0x37: {  	[tilespmem:s18], [sflag:$0x2] =	stream.indirect.gather @!p2 [hbm4b:s3+s16], $0x40, s13, s16, $0xb8;
	[tilespmem:$0x5400] =	vst v63  }
0x38: {  	p0 =	sge.u32 s17, s4;
	s17 =	simm.s32 @!p1 $0x1400;
	_ =	swait.ge @!p1 [sflag:s19], $0x2000  }
0x39: {  	s14 =	sadd.s32 @!p0 $0x2, s14;
	s16 =	simm.s32 @!p1 $0x0;
	[sflag:s19] =	ssyncset.done @!p1 $0x0  }
0x3a: {  	s18 =	simm.s32 @!p1 $0x4;
	p2 =	sge.u32 @!p0 s14, s4;
	[sflag:s19] =	ssyncadd.s32 @!p1 $0xFFFFE000  }
0x3b: {  	[hbm4b:s15+s16] =	stream.linear.scatter @!p1 [tilespmem:s17], [sflag:$0x4], $0x2000, $0x38;
	[tilespmem:$0x5400] =	vst v63  }
0x3c: {  	s11 =	sadd.s32 $0x1, s11;
	p2 =	por p2, p0;
	_ =	swait.ge @!p1 [sflag:s18], $0x2000  }
0x3d: {  	s13 =	sadd.s32 @!p2 $0x80, s13;
	s14 =	simm.s32 @!p2 $0x1400;
	[sflag:s18] =	ssyncset.done @!p1 $0x0  }
0x3e: {  	s15 =	simm.s32 @!p2 $0x80;
	s16 =	simm.s32 @!p0 $0x2;
	[sflag:s18] =	ssyncadd.s32 @!p1 $0xFFFFE000  }
0x3f: {  	[tilespmem:s14], [sflag:$0x1] =	stream.indirect.gather @!p2 [hbm4b:s3+s15], $0x40, s13, s15, $0xb8;
	[tilespmem:$0x5400] =	vst v63  }
0x40: {  	p1 =	sne.s32 s11, s6;
	_ =	swait.ge @!p0 [sflag:s16], $0x2000  }
0x41: {  	s13 =	simm.s32 @!p0 $0x0;
	s14 =	simm.s32 @!p0 $0x3400;
	[sflag:s16] =	ssyncset.done @!p0 $0x0  }
.Ltmp1:
0x42: {  	s15 =	simm.s32 @!p0 $0x3;
	[sflag:s16] =	ssyncadd.s32 @!p0 $0xFFFFE000;
	(pc) =	sbr.rel @p1 .LBB2_1-.Ltmp1, $4  }
0x43: {  	[hbm4b:s12+s13] =	stream.linear.scatter @!p0 [tilespmem:s14], [sflag:$0x3], $0x2000, $0x38;
	[tilespmem:$0x5400] =	vst v63  }
0x44: {  	_ =	swait.ge @!p0 [sflag:s15], $0x2000  }
0x45: {  	[sflag:s15] =	ssyncset.done @!p0 $0x0  }
0x46: {  	[sflag:s15] =	ssyncadd.s32 @!p0 $0xFFFFE000  }
0x47: {  	_ =	sfence.sel $0x180000  }
0x48: {  	[bflag:$0x0] =	sbarrier.arrive $0xFFFF  }
0x49: {  	p0 =	sne.s32 s0, $0x0;
	_ =	strace $0x9000004A  }
0x4a: {  	s0 =	sadd.s32 @!p0 $0x100000, s1;
	[bflag:$0x2] =	sbarrier.arrive $0xFFFF  }
0x4b: {  	[sflag:s0] =	ssyncadd.tile.s32 @!p0 $0x1;
	_ =	shalt  }
.Lfunc_end2:
_tile_overlayer_lowered:
.L_overlay_start_2:
0x4c: {  	(tag) =	ssettag $0x2  }
0x4d: {  	s0 =	rddreg [dreg:$0x0];
	s2 =	stileid.u32  }
0x4e: {  	s1 =	rddreg [dreg:$0x1];
	p0 =	sne.s32 s2, $0x0  }
0x4f: {  	s3 =	rddreg [dreg:$0x2];
	[bflag:$0x3] =	sbarrier.arrive $0xFFFF;
	s2 =	simm.s32 @!p0 $0x1C03  }
0x50: {  	[timem:s3], [sflag:s2] =	dma.local @!p0 [hbm:s0], s1  }
0x51: {  	s0 =	simm.s32 @!p0 $0x3  }
0x52: {  	_ =	swait.ge @!p0 [sflag:s0], s1  }
0x53: {  	s1 =	ssub.s32 @!p0 $0x0, s1;
	[sflag:s0] =	ssyncset.done @!p0 $0x0  }
0x54: {  	[sflag:s0] =	ssyncadd.s32 @!p0 s1  }
0x55: {  	[bflag:$0x3] =	sbarrier.arrive $0xFFFF  }
0x56: {  	_ =	shalt  }

// kernel: kernel.7.cloned.1.call-start
scs
__scs_entry_jumppad:
0x0: {  	(pc) =	sbr.rel $0x88, $3  }
0x1: {  	(tag) =	ssettag $0x0;
	lr =	simm.s32 $0x1  }
0x2: {  	[smem:$0x3F9B] =	sst lr;
	_ =	strace $0xD0000000  }
0x3: {  	_ = 	snop  }
0x4: {  	_ = 	snop  }
0x5: {  	_ = 	snop  }
0x6: {  	_ = 	snop  }
0x7: {  	_ = 	snop  }
__scs_overlays_trampoline_lowered:
0x8: {  	[smem:$0x3FAA] =	sst s0  }
0x9: {  	[smem:$0x3FAB] =	sst s1  }
0xa: {  	[smem:$0x3FAC] =	sst s2  }
0xb: {  	[smem:$0x3FAD] =	sst s3  }
0xc: {  	[smem:$0x3FAE] =	sst s4  }
0xd: {  	[smem:$0x3FAF] =	sst s5  }
0xe: {  	[smem:$0x3FB0] =	sst s6  }
0xf: {  	[smem:$0x3FB1] =	sst s7  }
0x10: {  	[smem:$0x3FB2] =	sst s8  }
0x11: {  	[smem:$0x3FB3] =	sst s9;
	s0 =	simm.s32 @!p0 $0x0  }
0x12: {  	s1 =	sld [smem:$0x3F99];
	s0 =	simm.s32 @p0 $0x1  }
0x13: {  	[smem:$0x3FB4] =	sst s0;
	s0 =	simm.s32 @!p1 $0x0  }
0x14: {  	s2 =	sld [smem:$0x3F98];
	s0 =	simm.s32 @p1 $0x1  }
0x15: {  	[smem:$0x3FB5] =	sst s0;
	s0 =	simm.s32 @!p2 $0x0  }
0x16: {  	s3 =	sld [smem:$0x3FDB];
	s0 =	simm.s32 @p2 $0x1  }
0x17: {  	s4 =	simm.s32 $0x1BF5;
	[smem:$0x3FB7] =	sst s0  }
0x18: {  	s0 =	sld [smem:$0x3F9A];
	_ =	swait.ge [sflag:s4], $0x0  }
0x19: {  	s7 =	sld [smem:$0x3F9B]  }
0x1a: {  	s8 =	sadd.s32 $0xFFFFE003, lr  }
0x1b: {  	s9 =	sadd.s32 $0xFFFFFEF7, lr;
	s5 =	simm.s32 $0xFFFFFFFF;
	p2 =	slt.u32 s8, $0xFFFFF086  }
0x1c: {  	p1 =	slt.u32 s9, $0xF7A;
	s5 =	simm.s32 @!p2 $0x0  }
0x1d: {  	s5 =	simm.s32 @p1 $0x1;
	p0 =	seq.s32 s7, s2  }
0x1e: {  	s7 =	smul.u32 @!p0 $0xF7A, s2;
	p2 =	seq.s32 @!p0 s5, $0x0  }
0x1f: {  	s9 =	smul.u32 $0xF7A, s1;
	s8 =	simm.s32 @!p0 $0x1BF5;
	p2 =	por !p2, p0  }
0x20: {  	[sflag:s8] =	ssyncset.s32 @!p0 $0xFFFFF086;
	s6 =	sadd.s32 @!p0 s3, s7;
	s7 =	simm.s32 @!p0 $0x108  }
0x21: {  	s3 =	sadd.s32 s3, s9;
	s6 =	sadd.s32 @!p0 $0x88, s6;
	s7 =	simm.s32 @p2 $0x1082  }
0x22: {  	[simem:s7], [sflag:s8] =	dma.local @!p0 [hbm:s6], $0xF7A  }
0x23: {  	s9 =	sor.u32 $0xD0000000, s2;
	s6 =	simm.s32 $0x108;
	_ =	swait.ge @!p0 [sflag:s8], $0x0  }
0x24: {  	s3 =	sadd.s32 $0x88, s3;
	s6 =	simm.s32 @!p1 $0x1082;
	[sflag:s4] =	ssyncset.s32 $0xFFFFF086  }
0x25: {  	[simem:s6], [sflag:s4] =	dma.local [hbm:s3], $0xF7A  }
0x26: {  	[smem:$0x3F9B] =	sst s1;
	(tag) =	ssettag s2;
	_ =	strace s9  }
0x27: {  	s1 =	sld [smem:$0x3FAB]  }
0x28: {  	s2 =	sld [smem:$0x3FAC]  }
0x29: {  	s4 =	sld [smem:$0x3FAE]  }
0x2a: {  	p0 =	seq.s32 s5, $0x0;
	s5 =	sld [smem:$0x3FAF]  }
0x2b: {  	s6 =	sld [smem:$0x3FB0]  }
0x2c: {  	s7 =	sld [smem:$0x3FB1]  }
0x2d: {  	s3 =	simm.s32 $0x108;
	s8 =	sld [smem:$0x3FB2]  }
0x2e: {  	s3 =	simm.s32 @!p0 $0x1082;
	s9 =	sld [smem:$0x3FB3]  }
0x2f: {  	lr =	sadd.s32 s0, s3;
	s0 =	sld [smem:$0x3FAA]  }
0x30: {  	s3 =	sld [smem:$0x3FAD]  }
0x31: {  	[smem:$0x3FB6] =	sst s10  }
0x32: {  	s10 =	sld [smem:$0x3FB4];
	_ =	sdelay $0x3  }
0x33: {  	p0 =	seq.s32 s10, $0x1;
	s10 =	sld [smem:$0x3FB6];
	_ =	sdelay $0x3  }
0x34: {  	[smem:$0x3FB6] =	sst s10  }
0x35: {  	s10 =	sld [smem:$0x3FB5];
	_ =	sdelay $0x3  }
0x36: {  	p1 =	seq.s32 s10, $0x1;
	s10 =	sld [smem:$0x3FB6];
	_ =	sdelay $0x3  }
0x37: {  	[smem:$0x3FB6] =	sst s10  }
0x38: {  	s10 =	sld [smem:$0x3FB7]  }
0x39: {  	_ = 	snop;
	(pc) =	sbr.ind lr, $3  }
0x3a: {  	_ = 	snop  }
0x3b: {  	_ = 	snop  }
0x3c: {  	p2 =	seq.s32 s10, $0x1;
	s10 =	sld [smem:$0x3FB6]  }
0x3d: {  	_ =	shalt  }
0x3e: {  	_ =	shalt  }
0x3f: {  	_ =	shalt  }
0x40: {  	_ =	shalt  }
0x41: {  	_ =	shalt  }
0x42: {  	_ =	shalt  }
0x43: {  	_ =	shalt  }
0x44: {  	_ =	shalt  }
0x45: {  	_ =	shalt  }
0x46: {  	_ =	shalt  }
0x47: {  	_ =	shalt  }
0x48: {  	_ =	shalt  }
0x49: {  	_ =	shalt  }
0x4a: {  	_ =	shalt  }
0x4b: {  	_ =	shalt  }
0x4c: {  	_ =	shalt  }
0x4d: {  	_ =	shalt  }
0x4e: {  	_ =	shalt  }
0x4f: {  	_ =	shalt  }
0x50: {  	_ =	shalt  }
0x51: {  	_ =	shalt  }
0x52: {  	_ =	shalt  }
0x53: {  	_ =	shalt  }
0x54: {  	_ =	shalt  }
0x55: {  	_ =	shalt  }
0x56: {  	_ =	shalt  }
0x57: {  	_ =	shalt  }
0x58: {  	_ =	shalt  }
0x59: {  	_ =	shalt  }
0x5a: {  	_ =	shalt  }
0x5b: {  	_ =	shalt  }
0x5c: {  	_ =	shalt  }
0x5d: {  	_ =	shalt  }
0x5e: {  	_ =	shalt  }
0x5f: {  	_ =	shalt  }
0x60: {  	_ =	shalt  }
0x61: {  	_ =	shalt  }
0x62: {  	_ =	shalt  }
0x63: {  	_ =	shalt  }
0x64: {  	_ =	shalt  }
0x65: {  	_ =	shalt  }
0x66: {  	_ =	shalt  }
0x67: {  	_ =	shalt  }
0x68: {  	_ =	shalt  }
0x69: {  	_ =	shalt  }
0x6a: {  	_ =	shalt  }
0x6b: {  	_ =	shalt  }
0x6c: {  	_ =	shalt  }
0x6d: {  	_ =	shalt  }
0x6e: {  	_ =	shalt  }
0x6f: {  	_ =	shalt  }
0x70: {  	_ =	shalt  }
0x71: {  	_ =	shalt  }
0x72: {  	_ =	shalt  }
0x73: {  	_ =	shalt  }
0x74: {  	_ =	shalt  }
0x75: {  	_ =	shalt  }
0x76: {  	_ =	shalt  }
0x77: {  	_ =	shalt  }
0x78: {  	_ =	shalt  }
0x79: {  	_ =	shalt  }
0x7a: {  	_ =	shalt  }
0x7b: {  	_ =	shalt  }
0x7c: {  	_ =	shalt  }
0x7d: {  	_ =	shalt  }
0x7e: {  	_ =	shalt  }
0x7f: {  	_ =	shalt  }
0x80: {  	_ =	shalt  }
0x81: {  	_ =	shalt  }
0x82: {  	_ =	shalt  }
0x83: {  	_ =	shalt  }
0x84: {  	_ =	shalt  }
0x85: {  	_ =	shalt  }
0x86: {  	_ =	shalt  }
0x87: {  	_ =	shalt  }
.Lfunc_end0:
.L_simem_size_0:
called_computation_lowered:
.L_overlay_start_0:
0x88: {  	s2 =	sld [smem:$0x3FD9]  }
0x89: {  	s3 =	sld [smem:$0x3FFE];
	_ =	sdelay $0x1  }
0x8a: {  	s1 =	srdreg.scid  }
0x8b: {  	s0 =	sand.u32 $0x1, s1  }
0x8c: {  	s16 =	sshll.u32 s0, $0xA;
	s2 =	sadd.s32 s3, s2  }
0x8d: {  	s2 =	sadd.s32 s2, s16  }
0x8e: {  	[smem:$0x3FC2] =	sst s2  }
0x8f: {  	_ = 	snop  }
0x90: {  	(tm) =	ssettm $0x1  }
0x91: {  	s17 =	sld [smem:$0x3FFB];
	_ =	sdelay $0x3  }
0x92: {  	_ =	strace s17  }
0x93: {  	s2 =	sld [smem:$0x3FFC];
	_ =	sdelay $0x3  }
0x94: {  	_ =	strace s2  }
0x95: {  	s2 =	sld [smem:$0x3FFD];
	_ =	sdelay $0x3  }
0x96: {  	_ =	strace s2  }
0x97: {  	_ =	strace $0x8FFFFFFF  }
0x98: {  	s18 =	sld [smem:$0x3FDB];
	_ =	sdelay $0x1  }
0x99: {  	s19 =	simm.s32 $_scs_section_size  }
0x9a: {  	s4 =	simm.s32 $_size__tile_overlayer_lowered;
	s5 =	simm.s32 $_tile_overlayer_lowered  }
0x9b: {  	s22 =	simm.s32 $0x1BFF;
	s21 =	sshll.u32 s5, $0x1;
	s2 =	sadd.s32 s19, s18  }
0x9c: {  	s6 =	simm.s32 $0x0;
	s20 =	sshll.u32 s4, $0x1;
	s4 =	sadd.s32 s21, s2  }
0x9d: {  	[timem:s6], [sflag:s22] =	dma.local [hbm:s4], s20  }
0x9e: {  	_ =	swait.ge [sflag:s22], s20  }
0x9f: {  	s3 =	ssub.s32 $0x0, s20;
	[sflag:s22] =	ssyncset.done $0x0  }
0xa0: {  	[sflag:s22] =	ssyncadd.s32 s3;
	_ =	sdelay $0x1  }
0xa1: {  	s23 =	simm.s32 $0x1B8B  }
0xa2: {  	_ =	swait.ge [sflag:s23], $0x1  }
0xa3: {  	[sflag:s23] =	ssyncset.done $0x0  }
0xa4: {  	s25 =	simm.s32 $0x1B8E;
	s24 =	sld [smem:$0x3FFE];
	[sflag:s23] =	ssyncadd.s32 $0xFFFFFFFF  }
0xa5: {  	s26 =	simm.s32 $execute0_lowered;
	[smem:$0x3FD2] =	sst s25  }
0xa6: {  	s4 =	sshll.u32 s26, $0x1;
	_ =	strace $0x80000046;
	[dreg:$0x1] =	wrdreg $0xFFFFFFFF  }
0xa7: {  	s28 =	simm.s32 $_size_execute0_lowered;
	s2 =	sadd.s32 s2, s4;
	[dreg:$0x0] =	wrdreg $0x0  }
0xa8: {  	s4 =	sshll.u32 s28, $0x1;
	[dreg:$0x2] =	wrdreg s2  }
0xa9: {  	[dreg:$0x3] =	wrdreg s4  }
0xaa: {  	[dreg:$0x4] =	wrdreg $0xC0  }
0xab: {  	_ =	task [dreg:s6], $0x5FFFF  }
0xac: {  	[dreg:$0x1] =	wrdreg $0xFFFFFFFF  }
0xad: {  	[dreg:$0x0] =	wrdreg $0x60  }
0xae: {  	[dreg:$0x2] =	wrdreg s24  }
0xaf: {  	[dreg:$0x3] =	wrdreg $0x9  }
0xb0: {  	_ =	task.clear_ibuf [dreg:s6], $0x4FFFF;
	_ =	strace $0x90000046  }
0xb1: {  	s29 =	simm.s32 $0x9;
	_ =	strace $0x80000048  }
0xb2: {  	_ =	swait.ge [sflag:s29], $0x1  }
0xb3: {  	[sflag:s29] =	ssyncadd.s32 $0xFFFFFFFF  }
0xb4: {  	_ =	strace $0x90000048  }
0xb5: {  	_ =	sfence  }
0xb6: {  	s30 =	sld [smem:$0x0];
	_ =	sdelay $0x2  }
0xb7: {  	s31 =	sshll.u32 s1, $0xD;
	s1 =	sshrl.u32 s1, $0x2  }
0xb8: {  	s3 =	sand.u32 $0x4000, s31;
	s1 =	sadd.s32 s1, s30  }
0xb9: {  	s0 =	sor.u32 s3, s0;
	s1 =	sshll.u32 s1, $0x11  }
0xba: {  	s0 =	sor.u32 s1, s0  }
0xbb: {  	s0 =	sadd.s32 $0x8F2B, s0  }
0xbc: {  	[sflag:s0] =	ssyncadd.remote.s32 $0x1  }
0xbd: {  	_ =	sfence.sel $0xFFFF  }
0xbe: {  	[dreg:$0x0] =	wrdreg $0xFFFFFFFF;
	(pc) =	sbr.abs _section_cstart, $3  }
0xbf: {  	[dreg:$0x1] =	wrdreg $0xFFFFFFFF  }
0xc0: {  	_ =	task.clear_ibuf [dreg:s6], $0x2FFFF;
	_ =	strace $0x9FFFFFFF  }
0xc1: {  	(tm) =	ssettm $0x7FFFFFFF  }
tec
execute0_lowered:
.L_overlay_start_1:
0x0: {  	(tag) =	ssettag $0x1  }
0x1: {  	s1 =	srdreg.scid;
	s0 =	stileid.u32  }
0x2: {  	s4 =	rddreg [dreg:$0x0];
	s2 =	simm.s32 $0x0;
	s9 =	smul.u32 $0x50, s0  }
0x3: {  	s5 =	sand.u32 $0x1, s1;
	s1 =	rddreg [dreg:$0x1];
	s30 =	smul.u32 $0x14000, s0  }
0x4: {  	s28 =	sshll.u32 s0, $0x1;
	[smem:$0x7FF] =	sst s2;
	s11 =	smul.u32 $0x28, s5  }
0x5: {  	s12 =	sadd.s32 $0x1A600, s4;
	s3 =	sor.u32 s5, s28;
	s31 =	smul.u32 $0xA000, s5  }
0x6: {  	_ =	strace $0x80000047;
	s8 =	ssub.s32 $0x2, s5;
	s6 =	smul.u32 $0x280, s3  }
0x7: {  	s7 =	smul.u32 $0x28, s3;
	s3 =	sadd.s32 $0x1C00, s4;
	s10 =	sshrl.u32 s8, $0x1  }
0x8: {  	s8 =	ssub.s32 s8, s10;
	s9 =	sadd.s32 s11, s9;
	s10 =	simm.s32 $0x1400  }
0x9: {  	s11 =	simm.s32 $0x0;
	s6 =	sadd.s32 s6, s4;
	s29 =	ssub.s32 $0x4E2, s7  }
0xa: {  	s9 =	sshll.u32 s9, $0xA;
	s7 =	sadd.s32 s30, s12;
	s4 =	smin.u32 s29, $0x28  }
0xb: {  	s5 =	sadd.s32 $0x15600, s6;
	s9 =	sadd.s32 s9, s12;
	s6 =	smax.u32 s8, $0x1  }
0xc: {  	s7 =	sadd.s32 s31, s7;
	s8 =	sadd.s32 $0x400, s9;
	s9 =	simm.s32 $0x3  }
.LBB2_1:
0xd: {  	[tilespmem:s2], [sflag:$0x3] =	stream.linear.gather [hbm4b:s5+s2], $0x1400, $0x38;
	[tilespmem:$0x5400] =	vst v63  }
0xe: {  	p1 =	sle.u32 s4, $0x0;
	_ =	swait.ge [sflag:s9], $0x1400  }
0xf: {  	p0 =	sle.u32 @!p1 s4, $0x1;
	[sflag:s9] =	ssyncset.done $0x0  }
0x10: {  	s12 =	simm.s32 $0x80;
	p0 =	por p0, p1;
	[sflag:s9] =	ssyncadd.s32 $0xFFFFEC00  }
0x11: {  	[tilespmem:s10], [sflag:$0x1] =	stream.indirect.gather [hbm4b:s3+s12], $0x40, s2, s12, $0xb8;
	[tilespmem:$0x5400] =	vst v63  }
0x12: {  	s15 =	simm.s32 @!p1 $0x1;
	s13 =	simm.s32 @!p0 $0x80;
	s14 =	simm.s32 @!p0 $0x3400  }
0x13: {  	[tilespmem:s14], [sflag:$0x2] =	stream.indirect.gather @!p0 [hbm4b:s3+s13], $0x40, s12, s13, $0xb8;
	[tilespmem:$0x5400] =	vst v63  }
0x14: {  	s16 =	simm.s32 $0x4;
	p0 =	sle.u32 s4, $0x1;
	_ =	swait.ge @!p1 [sflag:s15], $0x2000  }
0x15: {  	s12 =	simm.s32 @!p1 $0x0;
	s13 =	simm.s32 @!p1 $0x1400;
	[sflag:s15] =	ssyncset.done @!p1 $0x0  }
0x16: {  	s14 =	simm.s32 @!p1 $0x4;
	p2 =	sle.u32 @!p0 s4, $0x2;
	[sflag:s15] =	ssyncadd.s32 @!p1 $0xFFFFE000  }
0x17: {  	[hbm4b:s7+s12] =	stream.linear.scatter @!p1 [tilespmem:s13], [sflag:$0x4], $0x2000, $0x38;
	[tilespmem:$0x5400] =	vst v63  }
0x18: {  	s17 =	simm.s32 @!p0 $0x3400;
	p2 =	por p2, p0;
	_ =	swait.ge @!p1 [sflag:s14], $0x2000  }
0x19: {  	s15 =	simm.s32 @!p0 $0x2;
	s12 =	simm.s32 @!p2 $0x100;
	[sflag:s14] =	ssyncset.done @!p1 $0x0  }
0x1a: {  	s13 =	simm.s32 @!p2 $0x1400;
	[sflag:s14] =	ssyncadd.s32 @!p1 $0xFFFFE000;
	s14 =	simm.s32 @!p2 $0x80  }
0x1b: {  	[tilespmem:s13], [sflag:$0x1] =	stream.indirect.gather @!p2 [hbm4b:s3+s14], $0x40, s12, s14, $0xb8;
	[tilespmem:$0x5400] =	vst v63  }
0x1c: {  	s18 =	simm.s32 @!p0 $0x3;
	p1 =	sle.u32 s4, $0x2;
	_ =	swait.ge @!p0 [sflag:s15], $0x2000  }
0x1d: {  	s14 =	simm.s32 $0x2;
	s13 =	simm.s32 $0x180;
	[sflag:s15] =	ssyncset.done @!p0 $0x0  }
0x1e: {  	s12 =	simm.s32 @!p0 $0x0;
	[sflag:s15] =	ssyncadd.s32 @!p0 $0xFFFFE000;
	s15 =	sadd.s32 $0x800, s7  }
0x1f: {  	[hbm4b:s8+s12] =	stream.linear.scatter @!p0 [tilespmem:s17], [sflag:$0x3], $0x2000, $0x38;
	[tilespmem:$0x5400] =	vst v63  }
0x20: {  	s12 =	sadd.s32 $0x800, s8;
	s17 =	simm.s32 $0x3;
	_ =	swait.ge @!p0 [sflag:s18], $0x2000  }
.LBB2_2:
0x21: {  	p3 =	sge.u32 @!p1 s17, s4;
	[sflag:s18] =	ssyncset.done @!p0 $0x0;
	s19 =	smov.u32 s14  }
0x22: {  	s14 =	smov.u32 s16;
	s16 =	sadd.s32 $0x2, s16;
	s20 =	smov.u32 s13  }
0x23: {  	p2 =	sne.s32 s16, $0x28;
	p3 =	por p3, p1;
	[sflag:s18] =	ssyncadd.s32 @!p0 $0xFFFFE000  }
0x24: {  	s22 =	simm.s32 @!p1 $0x1;
	s18 =	simm.s32 @!p3 $0x80;
	s21 =	simm.s32 @!p3 $0x3400  }
0x25: {  	[tilespmem:s21], [sflag:$0x2] =	stream.indirect.gather @!p3 [hbm4b:s3+s18], $0x40, s13, s18, $0xb8;
	[tilespmem:$0x5400] =	vst v63  }
0x26: {  	s21 =	smov.u32 s12;
	_ =	swait.ge @!p1 [sflag:s22], $0x2000  }
0x27: {  	p0 =	sge.u32 s17, s4;
	[sflag:s22] =	ssyncset.done @!p1 $0x0  }
0x28: {  	s17 =	simm.s32 @!p1 $0x0;
	s19 =	sadd.s32 @!p0 $0x2, s19;
	s18 =	simm.s32 @!p1 $0x1400  }
0x29: {  	p3 =	sge.u32 @!p0 s19, s4;
	[sflag:s22] =	ssyncadd.s32 @!p1 $0xFFFFE000;
	s22 =	simm.s32 @!p1 $0x4  }
0x2a: {  	[hbm4b:s15+s17] =	stream.linear.scatter @!p1 [tilespmem:s18], [sflag:$0x4], $0x2000, $0x38;
	[tilespmem:$0x5400] =	vst v63  }
0x2b: {  	s13 =	sadd.s32 $0x100, s13;
	p3 =	por p3, p0;
	_ =	swait.ge @!p1 [sflag:s22], $0x2000  }
0x2c: {  	s17 =	sadd.s32 @!p3 $0x80, s20;
	s18 =	simm.s32 @!p3 $0x1400;
	[sflag:s22] =	ssyncset.done @!p1 $0x0  }
0x2d: {  	s19 =	simm.s32 @!p3 $0x80;
	s20 =	simm.s32 @!p0 $0x2;
	[sflag:s22] =	ssyncadd.s32 @!p1 $0xFFFFE000  }
0x2e: {  	[tilespmem:s18], [sflag:$0x1] =	stream.indirect.gather @!p3 [hbm4b:s3+s19], $0x40, s17, s19, $0xb8;
	[tilespmem:$0x5400] =	vst v63  }
.Ltmp0:
0x2f: {  	s12 =	sadd.s32 $0x800, s12;
	_ =	swait.ge @!p0 [sflag:s20], $0x2000;
	(pc) =	sbr.rel @p2 .LBB2_2-.Ltmp0, $4  }
0x30: {  	s17 =	simm.s32 @!p0 $0x0;
	s19 =	simm.s32 @!p0 $0x3400;
	[sflag:s20] =	ssyncset.done @!p0 $0x0  }
0x31: {  	s15 =	sadd.s32 $0x800, s15;
	s18 =	simm.s32 @!p0 $0x3;
	[sflag:s20] =	ssyncadd.s32 @!p0 $0xFFFFE000  }
0x32: {  	[hbm4b:s21+s17] =	stream.linear.scatter @!p0 [tilespmem:s19], [sflag:$0x3], $0x2000, $0x38;
	[tilespmem:$0x5400] =	vst v63  }
0x33: {  	p1 =	sge.u32 s14, s4;
	s17 =	sadd.s32 $0x1, s14;
	_ =	swait.ge @!p0 [sflag:s18], $0x2000  }
0x34: {  	p2 =	sge.u32 @!p1 s17, s4  }
0x35: {  	[sflag:s18] =	ssyncset.done @!p0 $0x0;
	s19 =	simm.s32 @!p1 $0x1;
	p2 =	por p2, p1  }
0x36: {  	[sflag:s18] =	ssyncadd.s32 @!p0 $0xFFFFE000;
	s16 =	simm.s32 @!p2 $0x80;
	s18 =	simm.s32 @!p2 $0x3400  }
0x37: {  	[tilespmem:s18], [sflag:$0x2] =	stream.indirect.gather @!p2 [hbm4b:s3+s16], $0x40, s13, s16, $0xb8;
	[tilespmem:$0x5400] =	vst v63  }
0x38: {  	p0 =	sge.u32 s17, s4;
	s17 =	simm.s32 @!p1 $0x1400;
	_ =	swait.ge @!p1 [sflag:s19], $0x2000  }
0x39: {  	s14 =	sadd.s32 @!p0 $0x2, s14;
	s16 =	simm.s32 @!p1 $0x0;
	[sflag:s19] =	ssyncset.done @!p1 $0x0  }
0x3a: {  	s18 =	simm.s32 @!p1 $0x4;
	p2 =	sge.u32 @!p0 s14, s4;
	[sflag:s19] =	ssyncadd.s32 @!p1 $0xFFFFE000  }
0x3b: {  	[hbm4b:s15+s16] =	stream.linear.scatter @!p1 [tilespmem:s17], [sflag:$0x4], $0x2000, $0x38;
	[tilespmem:$0x5400] =	vst v63  }
0x3c: {  	s11 =	sadd.s32 $0x1, s11;
	p2 =	por p2, p0;
	_ =	swait.ge @!p1 [sflag:s18], $0x2000  }
0x3d: {  	s13 =	sadd.s32 @!p2 $0x80, s13;
	s14 =	simm.s32 @!p2 $0x1400;
	[sflag:s18] =	ssyncset.done @!p1 $0x0  }
0x3e: {  	s15 =	simm.s32 @!p2 $0x80;
	s16 =	simm.s32 @!p0 $0x2;
	[sflag:s18] =	ssyncadd.s32 @!p1 $0xFFFFE000  }
0x3f: {  	[tilespmem:s14], [sflag:$0x1] =	stream.indirect.gather @!p2 [hbm4b:s3+s15], $0x40, s13, s15, $0xb8;
	[tilespmem:$0x5400] =	vst v63  }
0x40: {  	p1 =	sne.s32 s11, s6;
	_ =	swait.ge @!p0 [sflag:s16], $0x2000  }
0x41: {  	s13 =	simm.s32 @!p0 $0x0;
	s14 =	simm.s32 @!p0 $0x3400;
	[sflag:s16] =	ssyncset.done @!p0 $0x0  }
.Ltmp1:
0x42: {  	s15 =	simm.s32 @!p0 $0x3;
	[sflag:s16] =	ssyncadd.s32 @!p0 $0xFFFFE000;
	(pc) =	sbr.rel @p1 .LBB2_1-.Ltmp1, $4  }
0x43: {  	[hbm4b:s12+s13] =	stream.linear.scatter @!p0 [tilespmem:s14], [sflag:$0x3], $0x2000, $0x38;
	[tilespmem:$0x5400] =	vst v63  }
0x44: {  	_ =	swait.ge @!p0 [sflag:s15], $0x2000  }
0x45: {  	[sflag:s15] =	ssyncset.done @!p0 $0x0  }
0x46: {  	[sflag:s15] =	ssyncadd.s32 @!p0 $0xFFFFE000  }
0x47: {  	_ =	sfence.sel $0x180000  }
0x48: {  	[bflag:$0x0] =	sbarrier.arrive $0xFFFF  }
0x49: {  	p0 =	sne.s32 s0, $0x0;
	_ =	strace $0x90000047  }
0x4a: {  	s0 =	sadd.s32 @!p0 $0x100000, s1;
	[bflag:$0x2] =	sbarrier.arrive $0xFFFF  }
0x4b: {  	[sflag:s0] =	ssyncadd.tile.s32 @!p0 $0x1;
	_ =	shalt  }
.Lfunc_end2:
_tile_overlayer_lowered:
.L_overlay_start_2:
0x4c: {  	(tag) =	ssettag $0x2  }
0x4d: {  	s0 =	rddreg [dreg:$0x0];
	s2 =	stileid.u32  }
0x4e: {  	s1 =	rddreg [dreg:$0x1];
	p0 =	sne.s32 s2, $0x0  }
0x4f: {  	s3 =	rddreg [dreg:$0x2];
	[bflag:$0x3] =	sbarrier.arrive $0xFFFF;
	s2 =	simm.s32 @!p0 $0x1C03  }
0x50: {  	[timem:s3], [sflag:s2] =	dma.local @!p0 [hbm:s0], s1  }
0x51: {  	s0 =	simm.s32 @!p0 $0x3  }
0x52: {  	_ =	swait.ge @!p0 [sflag:s0], s1  }
0x53: {  	s1 =	ssub.s32 @!p0 $0x0, s1;
	[sflag:s0] =	ssyncset.done @!p0 $0x0  }
0x54: {  	[sflag:s0] =	ssyncadd.s32 @!p0 s1  }
0x55: {  	[bflag:$0x3] =	sbarrier.arrive $0xFFFF  }
0x56: {  	_ =	shalt  }

</sc_bundles>
